<compile_context>
chip_gen: v7x
topology: tpu7x:2x2x1
jax: 0.10.2.dev20260603
libtpu: 0.0.44.dev20260713+nightly
codegen_flags: <defaults>
</compile_context>

<pallas_src>
import functools

import jax
import jax.numpy as jnp
from jax import lax
from jax.experimental import pallas as pl
from jax.experimental.pallas import tpu as pltpu
from jax.experimental.pallas import tpu_sc as plsc

S, D = 2048, 768
H, KVH, DH = 12, 4, 64
E, TOPK, F = 8, 2, 1024
EPS = 1e-6
REP = H // KVH
HALF = DH // 2

BQ = 256
NQ = S // BQ
BT = 256
SLOTS = TOPK * S + E * BT
NB = SLOTS // BT

NEG = -1e30


def _kv_body(x_ref, ln1_ref, wk_ref, wkr_ref, wv_ref, cos_ref, sin_ref,
             h_ref, k_ref, v_ref):
    xb = x_ref[...]
    var = jnp.mean(xb * xb, axis=-1, keepdims=True)
    hb = xb * lax.rsqrt(var + EPS) * ln1_ref[...]
    h_ref[...] = hb
    hbb = hb.astype(jnp.bfloat16)
    cos = cos_ref[...]
    sin = sin_ref[...]
    for kv in range(KVH):
        k0 = jnp.dot(hbb, wk_ref[kv], preferred_element_type=jnp.float32)
        kr = jnp.dot(hbb, wkr_ref[kv], preferred_element_type=jnp.float32)
        k_ref[kv] = (k0 * cos + kr * sin).astype(jnp.bfloat16)
        v_ref[kv] = jnp.dot(hbb, wv_ref[kv],
                            preferred_element_type=jnp.float32
                            ).astype(jnp.bfloat16)


def _attn_body(h_ref, x_ref, wq_ref, wqr_ref, cos_ref, sin_ref,
               k_ref, v_ref, wo_ref, o_ref):
    i = pl.program_id(0)
    hbb = h_ref[...].astype(jnp.bfloat16)
    cos = cos_ref[...]
    sin = sin_ref[...]
    row = i * BQ + lax.broadcasted_iota(jnp.int32, (BQ, S), 0)
    col = lax.broadcasted_iota(jnp.int32, (BQ, S), 1)
    causal = col <= row
    acc = x_ref[...]
    for h in range(H):
        kv = h // REP
        q0 = jnp.dot(hbb, wq_ref[h], preferred_element_type=jnp.float32)
        qr = jnp.dot(hbb, wqr_ref[h], preferred_element_type=jnp.float32)
        qh = ((q0 * cos + qr * sin) * (1.0 / 8.0)).astype(jnp.bfloat16)
        scores = lax.dot_general(qh, k_ref[kv],
                                 (((1,), (1,)), ((), ())),
                                 preferred_element_type=jnp.float32)
        scores = jnp.where(causal, scores, NEG)
        m = jnp.max(scores, axis=-1, keepdims=True)
        p = jnp.exp(scores - m)
        p = p / jnp.sum(p, axis=-1, keepdims=True)
        ctx = jnp.dot(p.astype(jnp.bfloat16), v_ref[kv],
                      preferred_element_type=jnp.float32)
        acc = acc + jnp.dot(ctx.astype(jnp.bfloat16), wo_ref[h],
                            preferred_element_type=jnp.float32)
    o_ref[...] = acc


def _router_body(x_ref, ln2_ref, rw_ref, h2_ref, ti_ref, tw_ref):
    xb = x_ref[...]
    var = jnp.mean(xb * xb, axis=-1, keepdims=True)
    hb = xb * lax.rsqrt(var + EPS) * ln2_ref[...]
    h2_ref[...] = hb
    logits = jnp.dot(hb, rw_ref[...], preferred_element_type=jnp.float32)
    m = jnp.max(logits, axis=-1, keepdims=True)
    pe = jnp.exp(logits - m)
    probs = pe / jnp.sum(pe, axis=-1, keepdims=True)
    ei = lax.broadcasted_iota(jnp.int32, (BQ, E), 1)
    m1 = jnp.max(probs, axis=-1, keepdims=True)
    i1 = jnp.min(jnp.where(probs >= m1, ei, E), axis=-1, keepdims=True)
    p2 = jnp.where(ei == i1, -1.0, probs)
    m2 = jnp.max(p2, axis=-1, keepdims=True)
    i2 = jnp.min(jnp.where(p2 >= m2, ei, E), axis=-1, keepdims=True)
    den = m1 + m2
    ti_ref[...] = jnp.concatenate([i1, i2], axis=-1)
    tw_ref[...] = jnp.concatenate([m1 / den, m2 / den], axis=-1)


def _ffn_body(be_ref, vl_ref, xs_ref, wg_ref, wu_ref, wd_ref, ws_ref,
              o_ref):
    b = pl.program_id(0)

    @pl.when(vl_ref[b] == 1)
    def _():
        xb = xs_ref[...].astype(jnp.bfloat16)
        g = jnp.dot(xb, wg_ref[0], preferred_element_type=jnp.float32)
        u = jnp.dot(xb, wu_ref[0], preferred_element_type=jnp.float32)
        a = (g * jax.nn.sigmoid(g)) * u
        o = jnp.dot(a.astype(jnp.bfloat16), wd_ref[0],
                    preferred_element_type=jnp.float32)
        o_ref[...] = o * ws_ref[...]


def _rot_w(w, nh):
    w4 = w.reshape(D, nh, DH)
    return jnp.concatenate([-w4[:, :, HALF:], w4[:, :, :HALF]],
                           axis=-1).reshape(D, nh * DH)


def kernel(x, ln1_scale, ln2_scale, wq, wk, wv, wo, router_w,
           w_gate, w_up, w_down):
    f32, bf16 = jnp.float32, jnp.bfloat16
    x2d = x[0]

    inv = 1.0 / (10000.0 ** (jnp.arange(0, HALF, dtype=f32) / HALF))
    ang = jnp.arange(S, dtype=f32)[:, None] * inv[None, :]
    cos64 = jnp.concatenate([jnp.cos(ang), jnp.cos(ang)], axis=-1)
    sin64 = jnp.concatenate([jnp.sin(ang), jnp.sin(ang)], axis=-1)

    wq_t = wq.reshape(D, H, DH).transpose(1, 0, 2).astype(bf16)
    wqr_t = _rot_w(wq, H).reshape(D, H, DH).transpose(1, 0, 2).astype(bf16)
    wk_t = wk.reshape(D, KVH, DH).transpose(1, 0, 2).astype(bf16)
    wkr_t = _rot_w(wk, KVH).reshape(D, KVH, DH).transpose(1, 0, 2).astype(bf16)
    wv_t = wv.reshape(D, KVH, DH).transpose(1, 0, 2).astype(bf16)
    wo_t = wo.reshape(H, DH, D).astype(bf16)
    wg_b = w_gate.astype(bf16)
    wu_b = w_up.astype(bf16)
    wd_b = w_down.astype(bf16)
    ln1 = ln1_scale.reshape(1, D)
    ln2 = ln2_scale.reshape(1, D)

    h, k, v = pl.pallas_call(
        _kv_body,
        grid=(NQ,),
        in_specs=[
            pl.BlockSpec((BQ, D), lambda i: (i, 0)),
            pl.BlockSpec((1, D), lambda i: (0, 0)),
            pl.BlockSpec((KVH, D, DH), lambda i: (0, 0, 0)),
            pl.BlockSpec((KVH, D, DH), lambda i: (0, 0, 0)),
            pl.BlockSpec((KVH, D, DH), lambda i: (0, 0, 0)),
            pl.BlockSpec((BQ, DH), lambda i: (i, 0)),
            pl.BlockSpec((BQ, DH), lambda i: (i, 0)),
        ],
        out_specs=[
            pl.BlockSpec((BQ, D), lambda i: (i, 0)),
            pl.BlockSpec((KVH, BQ, DH), lambda i: (0, i, 0)),
            pl.BlockSpec((KVH, BQ, DH), lambda i: (0, i, 0)),
        ],
        out_shape=[
            jax.ShapeDtypeStruct((S, D), f32),
            jax.ShapeDtypeStruct((KVH, S, DH), bf16),
            jax.ShapeDtypeStruct((KVH, S, DH), bf16),
        ],
    )(x2d, ln1, wk_t, wkr_t, wv_t, cos64, sin64)

    x2 = pl.pallas_call(
        _attn_body,
        grid=(NQ,),
        in_specs=[
            pl.BlockSpec((BQ, D), lambda i: (i, 0)),
            pl.BlockSpec((BQ, D), lambda i: (i, 0)),
            pl.BlockSpec((H, D, DH), lambda i: (0, 0, 0)),
            pl.BlockSpec((H, D, DH), lambda i: (0, 0, 0)),
            pl.BlockSpec((BQ, DH), lambda i: (i, 0)),
            pl.BlockSpec((BQ, DH), lambda i: (i, 0)),
            pl.BlockSpec((KVH, S, DH), lambda i: (0, 0, 0)),
            pl.BlockSpec((KVH, S, DH), lambda i: (0, 0, 0)),
            pl.BlockSpec((H, DH, D), lambda i: (0, 0, 0)),
        ],
        out_specs=pl.BlockSpec((BQ, D), lambda i: (i, 0)),
        out_shape=jax.ShapeDtypeStruct((S, D), f32),
    )(h, x2d, wq_t, wqr_t, cos64, sin64, k, v, wo_t)

    h2, topi, topw = pl.pallas_call(
        _router_body,
        grid=(NQ,),
        in_specs=[
            pl.BlockSpec((BQ, D), lambda i: (i, 0)),
            pl.BlockSpec((1, D), lambda i: (0, 0)),
            pl.BlockSpec((D, E), lambda i: (0, 0)),
        ],
        out_specs=[
            pl.BlockSpec((BQ, D), lambda i: (i, 0)),
            pl.BlockSpec((BQ, TOPK), lambda i: (i, 0)),
            pl.BlockSpec((BQ, TOPK), lambda i: (i, 0)),
        ],
        out_shape=[
            jax.ShapeDtypeStruct((S, D), f32),
            jax.ShapeDtypeStruct((S, TOPK), jnp.int32),
            jax.ShapeDtypeStruct((S, TOPK), f32),
        ],
    )(x2, ln2, router_w)

    e_flat = topi.reshape(-1)
    onehot = (e_flat[:, None] == jnp.arange(E)[None, :]).astype(jnp.int32)
    counts = jnp.sum(onehot, axis=0)
    pc = ((counts + BT - 1) // BT) * BT
    ends = jnp.cumsum(pc)
    starts = ends - pc
    rank = jnp.take_along_axis(jnp.cumsum(onehot, axis=0),
                               e_flat[:, None], axis=1)[:, 0] - 1
    pos = starts[e_flat] + rank
    gather_pair = jnp.zeros((SLOTS,), jnp.int32).at[pos].set(
        jnp.arange(TOPK * S, dtype=jnp.int32))
    bidx = jnp.arange(NB, dtype=jnp.int32) * BT
    blk_e = jnp.searchsorted(ends, bidx, side='right').astype(jnp.int32)
    valid = (bidx < ends[-1]).astype(jnp.int32)
    last_e = jnp.searchsorted(ends, ends[-1] - 1,
                              side='right').astype(jnp.int32)
    blk_e = jnp.where(valid == 1, jnp.minimum(blk_e, E - 1), last_e)

    tok = gather_pair >> 1
    xs = h2[tok]
    w_slot = topw.reshape(-1)[gather_pair].reshape(SLOTS, 1)

    grid_spec = pltpu.PrefetchScalarGridSpec(
        num_scalar_prefetch=2,
        grid=(NB,),
        in_specs=[
            pl.BlockSpec((BT, D), lambda b, be, vl: (b, 0)),
            pl.BlockSpec((1, D, F), lambda b, be, vl: (be[b], 0, 0)),
            pl.BlockSpec((1, D, F), lambda b, be, vl: (be[b], 0, 0)),
            pl.BlockSpec((1, F, D), lambda b, be, vl: (be[b], 0, 0)),
            pl.BlockSpec((BT, 1), lambda b, be, vl: (b, 0)),
        ],
        out_specs=pl.BlockSpec((BT, D), lambda b, be, vl: (b, 0)),
    )
    outw = pl.pallas_call(
        _ffn_body,
        grid_spec=grid_spec,
        out_shape=jax.ShapeDtypeStruct((SLOTS, D), f32),
    )(blk_e, valid, xs, wg_b, wu_b, wd_b, w_slot)

    pos2 = pos.reshape(S, TOPK)
    xout = x2 + outw[pos2[:, 0]] + outw[pos2[:, 1]]

    return xout.reshape(1, S, D)

# --- scband reference (transcript-rebuilt; emitter-appended) ---
"""Pipeline reference for scband-mixtral-decoder-layer-23261542875580 (READ-ONLY COPY).

The authoritative reference and input builder live on the scoring server;
editing this copy changes nothing except your own understanding.
"""

import jax, jax.numpy as jnp
import numpy as np

B, S, D = 1, 2048, 768
H, KVH, DH = 12, 4, 64
E, TOPK, F = 8, 2, 1024
EPS = 1e-6


def setup_inputs(seed: int = 0):
    key = jax.random.key(seed)
    ks = jax.random.split(key, 12)
    std = 0.02
    return {
        "x": jax.random.normal(ks[0], (B, S, D), dtype=jnp.float32),
        "ln1_scale": jnp.ones((D,), jnp.float32),
        "ln2_scale": jnp.ones((D,), jnp.float32),
        "wq": jax.random.normal(ks[1], (D, H * DH), dtype=jnp.float32) * std,
        "wk": jax.random.normal(ks[2], (D, KVH * DH), dtype=jnp.float32) * std,
        "wv": jax.random.normal(ks[3], (D, KVH * DH), dtype=jnp.float32) * std,
        "wo": jax.random.normal(ks[4], (H * DH, D), dtype=jnp.float32) * std,
        "router_w": jax.random.normal(ks[5], (D, E), dtype=jnp.float32) * std,
        "w_gate": jax.random.normal(ks[6], (E, D, F), dtype=jnp.float32) * std,
        "w_up": jax.random.normal(ks[7], (E, D, F), dtype=jnp.float32) * std,
        "w_down": jax.random.normal(ks[8], (E, F, D), dtype=jnp.float32) * std,
    }


def rms_norm(x, scale, eps=EPS):
    var = jnp.mean(x * x, axis=-1, keepdims=True)
    return x * jax.lax.rsqrt(var + eps) * scale


def apply_rope(t):
    # t: [B, S, N, DH]
    half = DH // 2
    inv = 1.0 / (10000.0 ** (jnp.arange(0, half, dtype=jnp.float32) / half))
    pos = jnp.arange(S, dtype=jnp.float32)
    ang = pos[:, None] * inv[None, :]
    cos = jnp.cos(ang)[None, :, None, :]
    sin = jnp.sin(ang)[None, :, None, :]
    t1 = t[..., :half]
    t2 = t[..., half:]
    return jnp.concatenate([t1 * cos - t2 * sin, t2 * cos + t1 * sin], axis=-1)


def decoder_layer(x, ln1_scale, ln2_scale, wq, wk, wv, wo, router_w, w_gate, w_up, w_down):
    # --- self attention (GQA + rotary, causal) ---
    h = rms_norm(x, ln1_scale)
    q = (h @ wq).reshape(B, S, H, DH)
    k = (h @ wk).reshape(B, S, KVH, DH)
    v = (h @ wv).reshape(B, S, KVH, DH)
    q = apply_rope(q)
    k = apply_rope(k)
    rep = H // KVH
    k = jnp.repeat(k, rep, axis=2)
    v = jnp.repeat(v, rep, axis=2)
    scores = jnp.einsum("bshd,bthd->bhst", q, k) / jnp.sqrt(jnp.float32(DH))
    causal = jnp.tril(jnp.ones((S, S), dtype=bool))
    scores = jnp.where(causal[None, None, :, :], scores, jnp.float32(-1e30))
    attn = jax.nn.softmax(scores, axis=-1)
    ctx = jnp.einsum("bhst,bthd->bshd", attn, v).reshape(B, S, H * DH)
    x = x + ctx @ wo

    # --- sparse MoE MLP block ---
    h2 = rms_norm(x, ln2_scale).reshape(B * S, D)
    T = B * S
    logits = h2 @ router_w                      # [T, E]
    probs = jax.nn.softmax(logits, axis=-1)
    topv, topi = jax.lax.top_k(probs, TOPK)     # [T, k]
    topv = topv / jnp.sum(topv, axis=-1, keepdims=True)
    full = jnp.zeros((T, E), jnp.float32).at[jnp.arange(T)[:, None], topi].set(topv)
    gate = jax.nn.silu(jnp.einsum("td,edf->etf", h2, w_gate))
    up = jnp.einsum("td,edf->etf", h2, w_up)
    expert_out = jnp.einsum("etf,efd->etd", gate * up, w_down)
    y = jnp.einsum("te,etd->td", full, expert_out)
    x = x + y.reshape(B, S, D)
    return x


def reference(x, ln1_scale, ln2_scale, wq, wk, wv, wo, router_w, w_gate, w_up, w_down):
    return decoder_layer(x, ln1_scale, ln2_scale, wq, wk, wv, wo, router_w, w_gate, w_up, w_down)

if __name__ == "__main__":
    import jax
    _d = setup_inputs()
    print(jax.jit(kernel)(*tuple(_d.values())))

</pallas_src>

<mosaic_0001>
module attributes {stable_mosaic.version = 14 : i64} {
  func.func @_kv_body(%arg0: i32, %arg1: memref<256x768xf32, #tpu.memory_space<vmem>>, %arg2: memref<1x768xf32, #tpu.memory_space<vmem>>, %arg3: memref<4x768x64xbf16, #tpu.memory_space<vmem>>, %arg4: memref<4x768x64xbf16, #tpu.memory_space<vmem>>, %arg5: memref<4x768x64xbf16, #tpu.memory_space<vmem>>, %arg6: memref<256x64xf32, #tpu.memory_space<vmem>>, %arg7: memref<256x64xf32, #tpu.memory_space<vmem>>, %arg8: memref<256x768xf32, #tpu.memory_space<vmem>>, %arg9: memref<4x256x64xbf16, #tpu.memory_space<vmem>>, %arg10: memref<4x256x64xbf16, #tpu.memory_space<vmem>>) attributes {dimension_semantics = [#tpu.dimension_semantics<arbitrary>], iteration_bounds = array<i64: 8>, scalar_prefetch = 0 : i64, scratch_operands = 0 : i64, tpu.core_type = #tpu.core_type<tc>, window_params = [{transform_indices = @transform_0, window_bounds = array<i64: 256, 768>}, {pipeline_mode = #tpu.pipeline_mode<synchronous>, transform_indices = @transform_1, window_bounds = array<i64: 1, 768>}, {pipeline_mode = #tpu.pipeline_mode<synchronous>, transform_indices = @transform_2, window_bounds = array<i64: 4, 768, 64>}, {pipeline_mode = #tpu.pipeline_mode<synchronous>, transform_indices = @transform_3, window_bounds = array<i64: 4, 768, 64>}, {pipeline_mode = #tpu.pipeline_mode<synchronous>, transform_indices = @transform_4, window_bounds = array<i64: 4, 768, 64>}, {transform_indices = @transform_5, window_bounds = array<i64: 256, 64>}, {transform_indices = @transform_6, window_bounds = array<i64: 256, 64>}, {transform_indices = @transform_7, window_bounds = array<i64: 256, 768>}, {transform_indices = @transform_8, window_bounds = array<i64: 4, 256, 64>}, {transform_indices = @transform_9, window_bounds = array<i64: 4, 256, 64>}]} {
    %get3A = arith.constant 0 : index
    %get3A_0 = arith.constant 0 : index
    %get3A_1 = vector.load %arg1[%get3A, %get3A_0] : memref<256x768xf32, #tpu.memory_space<vmem>>, vector<256x768xf32>
    %mul3A = arith.mulf %get3A_1, %get3A_1 : vector<256x768xf32>
    %reduce_sum3A = arith.constant dense<0.000000e+00> : vector<256xf32>
    %reduce_sum3A_2 = vector.multi_reduction <add>, %mul3A, %reduce_sum3A [1] : vector<256x768xf32> to vector<256xf32>
    %broadcast_in_dim3A = vector.shape_cast %reduce_sum3A_2 : vector<256xf32> to vector<256x1xf32>
    %div3A = arith.constant 7.680000e+02 : f32
    %div3A_3 = vector.broadcast %div3A : f32 to vector<256x1xf32>
    %div3A_4 = arith.divf %broadcast_in_dim3A, %div3A_3 : vector<256x1xf32>
    %add3A = arith.constant 9.99999997E-7 : f32
    %add3A_5 = vector.broadcast %add3A : f32 to vector<256x1xf32>
    %add3A_6 = arith.addf %div3A_4, %add3A_5 : vector<256x1xf32>
    %rsqrt3A = math.rsqrt %add3A_6 : vector<256x1xf32>
    %mul3A_7 = vector.broadcast %rsqrt3A : vector<256x1xf32> to vector<256x768xf32>
    %mul3A_8 = arith.mulf %get3A_1, %mul3A_7 : vector<256x768xf32>
    %get3A_9 = arith.constant 0 : index
    %get3A_10 = arith.constant 0 : index
    %get3A_11 = vector.load %arg2[%get3A_9, %get3A_10] : memref<1x768xf32, #tpu.memory_space<vmem>>, vector<1x768xf32>
    %mul3A_12 = vector.broadcast %get3A_11 : vector<1x768xf32> to vector<256x768xf32>
    %mul3A_13 = arith.mulf %mul3A_8, %mul3A_12 : vector<256x768xf32>
    %swap3A = arith.constant 0 : index
    %swap3A_14 = arith.constant 0 : index
    %swap3A_15 = vector.load %arg8[%swap3A, %swap3A_14] : memref<256x768xf32, #tpu.memory_space<vmem>>, vector<256x768xf32>
    tpu.vector_store %arg8[%swap3A, %swap3A_14], %mul3A_13 {strides = array<i32>} : memref<256x768xf32, #tpu.memory_space<vmem>>, vector<256x768xf32>,
    %convert_element_type3A = arith.truncf %mul3A_13 : vector<256x768xf32> to vector<256x768xbf16>
    %get3A_16 = arith.constant 0 : index
    %get3A_17 = arith.constant 0 : index
    %get3A_18 = vector.load %arg6[%get3A_16, %get3A_17] : memref<256x64xf32, #tpu.memory_space<vmem>>, vector<256x64xf32>
    %get3A_19 = arith.constant 0 : index
    %get3A_20 = arith.constant 0 : index
    %get3A_21 = vector.load %arg7[%get3A_19, %get3A_20] : memref<256x64xf32, #tpu.memory_space<vmem>>, vector<256x64xf32>
    %get3A_22 = arith.constant 0 : index
    %get3A_23 = arith.constant 0 : index
    %get3A_24 = arith.constant 0 : index
    %get3A_25 = vector.load %arg3[%get3A_22, %get3A_23, %get3A_24] : memref<4x768x64xbf16, #tpu.memory_space<vmem>>, vector<1x768x64xbf16>
    %get3A_26 = vector.shape_cast %get3A_25 : vector<1x768x64xbf16> to vector<768x64xbf16>
    %dot_general3A = arith.constant dense<0.000000e+00> : vector<256x64xf32>
    %dot_general3A_27 = tpu.matmul %convert_element_type3A, %get3A_26, %dot_general3A {dimension_numbers = #tpu.dot_dimension_numbers<[1], [0], [0], [1], [0, 0, 1, 1], [], []>, transpose_lhs_hint = false} : vector<256x768xbf16>, vector<768x64xbf16>, vector<256x64xf32> -> vector<256x64xf32>
    %get3A_28 = arith.constant 0 : index
    %get3A_29 = arith.constant 0 : index
    %get3A_30 = arith.constant 0 : index
    %get3A_31 = vector.load %arg4[%get3A_28, %get3A_29, %get3A_30] : memref<4x768x64xbf16, #tpu.memory_space<vmem>>, vector<1x768x64xbf16>
    %get3A_32 = vector.shape_cast %get3A_31 : vector<1x768x64xbf16> to vector<768x64xbf16>
    %dot_general3A_33 = arith.constant dense<0.000000e+00> : vector<256x64xf32>
    %dot_general3A_34 = tpu.matmul %convert_element_type3A, %get3A_32, %dot_general3A_33 {dimension_numbers = #tpu.dot_dimension_numbers<[1], [0], [0], [1], [0, 0, 1, 1], [], []>, transpose_lhs_hint = false} : vector<256x768xbf16>, vector<768x64xbf16>, vector<256x64xf32> -> vector<256x64xf32>
    %mul3A_35 = arith.mulf %dot_general3A_27, %get3A_18 : vector<256x64xf32>
    %mul3A_36 = arith.mulf %dot_general3A_34, %get3A_21 : vector<256x64xf32>
    %add3A_37 = arith.addf %mul3A_35, %mul3A_36 : vector<256x64xf32>
    %convert_element_type3A_38 = arith.truncf %add3A_37 : vector<256x64xf32> to vector<256x64xbf16>
    %swap3A_39 = arith.constant 0 : index
    %swap3A_40 = arith.constant 0 : index
    %swap3A_41 = arith.constant 0 : index
    %swap3A_42 = vector.load %arg9[%swap3A_39, %swap3A_40, %swap3A_41] : memref<4x256x64xbf16, #tpu.memory_space<vmem>>, vector<1x256x64xbf16>
    %swap3A_43 = vector.shape_cast %swap3A_42 : vector<1x256x64xbf16> to vector<256x64xbf16>
    %swap3A_44 = vector.shape_cast %convert_element_type3A_38 : vector<256x64xbf16> to vector<1x256x64xbf16>
    tpu.vector_store %arg9[%swap3A_39, %swap3A_40, %swap3A_41], %swap3A_44 {strides = array<i32>} : memref<4x256x64xbf16, #tpu.memory_space<vmem>>, vector<1x256x64xbf16>,
    %get3A_45 = arith.constant 0 : index
    %get3A_46 = arith.constant 0 : index
    %get3A_47 = arith.constant 0 : index
    %get3A_48 = vector.load %arg5[%get3A_45, %get3A_46, %get3A_47] : memref<4x768x64xbf16, #tpu.memory_space<vmem>>, vector<1x768x64xbf16>
    %get3A_49 = vector.shape_cast %get3A_48 : vector<1x768x64xbf16> to vector<768x64xbf16>
    %dot_general3A_50 = arith.constant dense<0.000000e+00> : vector<256x64xf32>
    %dot_general3A_51 = tpu.matmul %convert_element_type3A, %get3A_49, %dot_general3A_50 {dimension_numbers = #tpu.dot_dimension_numbers<[1], [0], [0], [1], [0, 0, 1, 1], [], []>, transpose_lhs_hint = false} : vector<256x768xbf16>, vector<768x64xbf16>, vector<256x64xf32> -> vector<256x64xf32>
    %convert_element_type3A_52 = arith.truncf %dot_general3A_51 : vector<256x64xf32> to vector<256x64xbf16>
    %swap3A_53 = arith.constant 0 : index
    %swap3A_54 = arith.constant 0 : index
    %swap3A_55 = arith.constant 0 : index
    %swap3A_56 = vector.load %arg10[%swap3A_53, %swap3A_54, %swap3A_55] : memref<4x256x64xbf16, #tpu.memory_space<vmem>>, vector<1x256x64xbf16>
    %swap3A_57 = vector.shape_cast %swap3A_56 : vector<1x256x64xbf16> to vector<256x64xbf16>
    %swap3A_58 = vector.shape_cast %convert_element_type3A_52 : vector<256x64xbf16> to vector<1x256x64xbf16>
    tpu.vector_store %arg10[%swap3A_53, %swap3A_54, %swap3A_55], %swap3A_58 {strides = array<i32>} : memref<4x256x64xbf16, #tpu.memory_space<vmem>>, vector<1x256x64xbf16>,
    %get3A_59 = arith.constant 1 : index
    %get3A_60 = arith.constant 0 : index
    %get3A_61 = arith.constant 0 : index
    %get3A_62 = vector.load %arg3[%get3A_59, %get3A_60, %get3A_61] : memref<4x768x64xbf16, #tpu.memory_space<vmem>>, vector<1x768x64xbf16>
    %get3A_63 = vector.shape_cast %get3A_62 : vector<1x768x64xbf16> to vector<768x64xbf16>
    %dot_general3A_64 = arith.constant dense<0.000000e+00> : vector<256x64xf32>
    %dot_general3A_65 = tpu.matmul %convert_element_type3A, %get3A_63, %dot_general3A_64 {dimension_numbers = #tpu.dot_dimension_numbers<[1], [0], [0], [1], [0, 0, 1, 1], [], []>, transpose_lhs_hint = false} : vector<256x768xbf16>, vector<768x64xbf16>, vector<256x64xf32> -> vector<256x64xf32>
    %get3A_66 = arith.constant 1 : index
    %get3A_67 = arith.constant 0 : index
    %get3A_68 = arith.constant 0 : index
    %get3A_69 = vector.load %arg4[%get3A_66, %get3A_67, %get3A_68] : memref<4x768x64xbf16, #tpu.memory_space<vmem>>, vector<1x768x64xbf16>
    %get3A_70 = vector.shape_cast %get3A_69 : vector<1x768x64xbf16> to vector<768x64xbf16>
    %dot_general3A_71 = arith.constant dense<0.000000e+00> : vector<256x64xf32>
    %dot_general3A_72 = tpu.matmul %convert_element_type3A, %get3A_70, %dot_general3A_71 {dimension_numbers = #tpu.dot_dimension_numbers<[1], [0], [0], [1], [0, 0, 1, 1], [], []>, transpose_lhs_hint = false} : vector<256x768xbf16>, vector<768x64xbf16>, vector<256x64xf32> -> vector<256x64xf32>
    %mul3A_73 = arith.mulf %dot_general3A_65, %get3A_18 : vector<256x64xf32>
    %mul3A_74 = arith.mulf %dot_general3A_72, %get3A_21 : vector<256x64xf32>
    %add3A_75 = arith.addf %mul3A_73, %mul3A_74 : vector<256x64xf32>
    %convert_element_type3A_76 = arith.truncf %add3A_75 : vector<256x64xf32> to vector<256x64xbf16>
    %swap3A_77 = arith.constant 1 : index
    %swap3A_78 = arith.constant 0 : index
    %swap3A_79 = arith.constant 0 : index
    %swap3A_80 = vector.load %arg9[%swap3A_77, %swap3A_78, %swap3A_79] : memref<4x256x64xbf16, #tpu.memory_space<vmem>>, vector<1x256x64xbf16>
    %swap3A_81 = vector.shape_cast %swap3A_80 : vector<1x256x64xbf16> to vector<256x64xbf16>
    %swap3A_82 = vector.shape_cast %convert_element_type3A_76 : vector<256x64xbf16> to vector<1x256x64xbf16>
    tpu.vector_store %arg9[%swap3A_77, %swap3A_78, %swap3A_79], %swap3A_82 {strides = array<i32>} : memref<4x256x64xbf16, #tpu.memory_space<vmem>>, vector<1x256x64xbf16>,
    %get3A_83 = arith.constant 1 : index
    %get3A_84 = arith.constant 0 : index
    %get3A_85 = arith.constant 0 : index
    %get3A_86 = vector.load %arg5[%get3A_83, %get3A_84, %get3A_85] : memref<4x768x64xbf16, #tpu.memory_space<vmem>>, vector<1x768x64xbf16>
    %get3A_87 = vector.shape_cast %get3A_86 : vector<1x768x64xbf16> to vector<768x64xbf16>
    %dot_general3A_88 = arith.constant dense<0.000000e+00> : vector<256x64xf32>
    %dot_general3A_89 = tpu.matmul %convert_element_type3A, %get3A_87, %dot_general3A_88 {dimension_numbers = #tpu.dot_dimension_numbers<[1], [0], [0], [1], [0, 0, 1, 1], [], []>, transpose_lhs_hint = false} : vector<256x768xbf16>, vector<768x64xbf16>, vector<256x64xf32> -> vector<256x64xf32>
    %convert_element_type3A_90 = arith.truncf %dot_general3A_89 : vector<256x64xf32> to vector<256x64xbf16>
    %swap3A_91 = arith.constant 1 : index
    %swap3A_92 = arith.constant 0 : index
    %swap3A_93 = arith.constant 0 : index
    %swap3A_94 = vector.load %arg10[%swap3A_91, %swap3A_92, %swap3A_93] : memref<4x256x64xbf16, #tpu.memory_space<vmem>>, vector<1x256x64xbf16>
    %swap3A_95 = vector.shape_cast %swap3A_94 : vector<1x256x64xbf16> to vector<256x64xbf16>
    %swap3A_96 = vector.shape_cast %convert_element_type3A_90 : vector<256x64xbf16> to vector<1x256x64xbf16>
    tpu.vector_store %arg10[%swap3A_91, %swap3A_92, %swap3A_93], %swap3A_96 {strides = array<i32>} : memref<4x256x64xbf16, #tpu.memory_space<vmem>>, vector<1x256x64xbf16>,
    %get3A_97 = arith.constant 2 : index
    %get3A_98 = arith.constant 0 : index
    %get3A_99 = arith.constant 0 : index
    %get3A_100 = vector.load %arg3[%get3A_97, %get3A_98, %get3A_99] : memref<4x768x64xbf16, #tpu.memory_space<vmem>>, vector<1x768x64xbf16>
    %get3A_101 = vector.shape_cast %get3A_100 : vector<1x768x64xbf16> to vector<768x64xbf16>
    %dot_general3A_102 = arith.constant dense<0.000000e+00> : vector<256x64xf32>
    %dot_general3A_103 = tpu.matmul %convert_element_type3A, %get3A_101, %dot_general3A_102 {dimension_numbers = #tpu.dot_dimension_numbers<[1], [0], [0], [1], [0, 0, 1, 1], [], []>, transpose_lhs_hint = false} : vector<256x768xbf16>, vector<768x64xbf16>, vector<256x64xf32> -> vector<256x64xf32>
    %get3A_104 = arith.constant 2 : index
    %get3A_105 = arith.constant 0 : index
    %get3A_106 = arith.constant 0 : index
    %get3A_107 = vector.load %arg4[%get3A_104, %get3A_105, %get3A_106] : memref<4x768x64xbf16, #tpu.memory_space<vmem>>, vector<1x768x64xbf16>
    %get3A_108 = vector.shape_cast %get3A_107 : vector<1x768x64xbf16> to vector<768x64xbf16>
    %dot_general3A_109 = arith.constant dense<0.000000e+00> : vector<256x64xf32>
    %dot_general3A_110 = tpu.matmul %convert_element_type3A, %get3A_108, %dot_general3A_109 {dimension_numbers = #tpu.dot_dimension_numbers<[1], [0], [0], [1], [0, 0, 1, 1], [], []>, transpose_lhs_hint = false} : vector<256x768xbf16>, vector<768x64xbf16>, vector<256x64xf32> -> vector<256x64xf32>
    %mul3A_111 = arith.mulf %dot_general3A_103, %get3A_18 : vector<256x64xf32>
    %mul3A_112 = arith.mulf %dot_general3A_110, %get3A_21 : vector<256x64xf32>
    %add3A_113 = arith.addf %mul3A_111, %mul3A_112 : vector<256x64xf32>
    %convert_element_type3A_114 = arith.truncf %add3A_113 : vector<256x64xf32> to vector<256x64xbf16>
    %swap3A_115 = arith.constant 2 : index
    %swap3A_116 = arith.constant 0 : index
    %swap3A_117 = arith.constant 0 : index
    %swap3A_118 = vector.load %arg9[%swap3A_115, %swap3A_116, %swap3A_117] : memref<4x256x64xbf16, #tpu.memory_space<vmem>>, vector<1x256x64xbf16>
    %swap3A_119 = vector.shape_cast %swap3A_118 : vector<1x256x64xbf16> to vector<256x64xbf16>
    %swap3A_120 = vector.shape_cast %convert_element_type3A_114 : vector<256x64xbf16> to vector<1x256x64xbf16>
    tpu.vector_store %arg9[%swap3A_115, %swap3A_116, %swap3A_117], %swap3A_120 {strides = array<i32>} : memref<4x256x64xbf16, #tpu.memory_space<vmem>>, vector<1x256x64xbf16>,
    %get3A_121 = arith.constant 2 : index
    %get3A_122 = arith.constant 0 : index
    %get3A_123 = arith.constant 0 : index
    %get3A_124 = vector.load %arg5[%get3A_121, %get3A_122, %get3A_123] : memref<4x768x64xbf16, #tpu.memory_space<vmem>>, vector<1x768x64xbf16>
    %get3A_125 = vector.shape_cast %get3A_124 : vector<1x768x64xbf16> to vector<768x64xbf16>
    %dot_general3A_126 = arith.constant dense<0.000000e+00> : vector<256x64xf32>
    %dot_general3A_127 = tpu.matmul %convert_element_type3A, %get3A_125, %dot_general3A_126 {dimension_numbers = #tpu.dot_dimension_numbers<[1], [0], [0], [1], [0, 0, 1, 1], [], []>, transpose_lhs_hint = false} : vector<256x768xbf16>, vector<768x64xbf16>, vector<256x64xf32> -> vector<256x64xf32>
    %convert_element_type3A_128 = arith.truncf %dot_general3A_127 : vector<256x64xf32> to vector<256x64xbf16>
    %swap3A_129 = arith.constant 2 : index
    %swap3A_130 = arith.constant 0 : index
    %swap3A_131 = arith.constant 0 : index
    %swap3A_132 = vector.load %arg10[%swap3A_129, %swap3A_130, %swap3A_131] : memref<4x256x64xbf16, #tpu.memory_space<vmem>>, vector<1x256x64xbf16>
    %swap3A_133 = vector.shape_cast %swap3A_132 : vector<1x256x64xbf16> to vector<256x64xbf16>
    %swap3A_134 = vector.shape_cast %convert_element_type3A_128 : vector<256x64xbf16> to vector<1x256x64xbf16>
    tpu.vector_store %arg10[%swap3A_129, %swap3A_130, %swap3A_131], %swap3A_134 {strides = array<i32>} : memref<4x256x64xbf16, #tpu.memory_space<vmem>>, vector<1x256x64xbf16>,
    %get3A_135 = arith.constant 3 : index
    %get3A_136 = arith.constant 0 : index
    %get3A_137 = arith.constant 0 : index
    %get3A_138 = vector.load %arg3[%get3A_135, %get3A_136, %get3A_137] : memref<4x768x64xbf16, #tpu.memory_space<vmem>>, vector<1x768x64xbf16>
    %get3A_139 = vector.shape_cast %get3A_138 : vector<1x768x64xbf16> to vector<768x64xbf16>
    %dot_general3A_140 = arith.constant dense<0.000000e+00> : vector<256x64xf32>
    %dot_general3A_141 = tpu.matmul %convert_element_type3A, %get3A_139, %dot_general3A_140 {dimension_numbers = #tpu.dot_dimension_numbers<[1], [0], [0], [1], [0, 0, 1, 1], [], []>, transpose_lhs_hint = false} : vector<256x768xbf16>, vector<768x64xbf16>, vector<256x64xf32> -> vector<256x64xf32>
    %get3A_142 = arith.constant 3 : index
    %get3A_143 = arith.constant 0 : index
    %get3A_144 = arith.constant 0 : index
    %get3A_145 = vector.load %arg4[%get3A_142, %get3A_143, %get3A_144] : memref<4x768x64xbf16, #tpu.memory_space<vmem>>, vector<1x768x64xbf16>
    %get3A_146 = vector.shape_cast %get3A_145 : vector<1x768x64xbf16> to vector<768x64xbf16>
    %dot_general3A_147 = arith.constant dense<0.000000e+00> : vector<256x64xf32>
    %dot_general3A_148 = tpu.matmul %convert_element_type3A, %get3A_146, %dot_general3A_147 {dimension_numbers = #tpu.dot_dimension_numbers<[1], [0], [0], [1], [0, 0, 1, 1], [], []>, transpose_lhs_hint = false} : vector<256x768xbf16>, vector<768x64xbf16>, vector<256x64xf32> -> vector<256x64xf32>
    %mul3A_149 = arith.mulf %dot_general3A_141, %get3A_18 : vector<256x64xf32>
    %mul3A_150 = arith.mulf %dot_general3A_148, %get3A_21 : vector<256x64xf32>
    %add3A_151 = arith.addf %mul3A_149, %mul3A_150 : vector<256x64xf32>
    %convert_element_type3A_152 = arith.truncf %add3A_151 : vector<256x64xf32> to vector<256x64xbf16>
    %swap3A_153 = arith.constant 3 : index
    %swap3A_154 = arith.constant 0 : index
    %swap3A_155 = arith.constant 0 : index
    %swap3A_156 = vector.load %arg9[%swap3A_153, %swap3A_154, %swap3A_155] : memref<4x256x64xbf16, #tpu.memory_space<vmem>>, vector<1x256x64xbf16>
    %swap3A_157 = vector.shape_cast %swap3A_156 : vector<1x256x64xbf16> to vector<256x64xbf16>
    %swap3A_158 = vector.shape_cast %convert_element_type3A_152 : vector<256x64xbf16> to vector<1x256x64xbf16>
    tpu.vector_store %arg9[%swap3A_153, %swap3A_154, %swap3A_155], %swap3A_158 {strides = array<i32>} : memref<4x256x64xbf16, #tpu.memory_space<vmem>>, vector<1x256x64xbf16>,
    %get3A_159 = arith.constant 3 : index
    %get3A_160 = arith.constant 0 : index
    %get3A_161 = arith.constant 0 : index
    %get3A_162 = vector.load %arg5[%get3A_159, %get3A_160, %get3A_161] : memref<4x768x64xbf16, #tpu.memory_space<vmem>>, vector<1x768x64xbf16>
    %get3A_163 = vector.shape_cast %get3A_162 : vector<1x768x64xbf16> to vector<768x64xbf16>
    %dot_general3A_164 = arith.constant dense<0.000000e+00> : vector<256x64xf32>
    %dot_general3A_165 = tpu.matmul %convert_element_type3A, %get3A_163, %dot_general3A_164 {dimension_numbers = #tpu.dot_dimension_numbers<[1], [0], [0], [1], [0, 0, 1, 1], [], []>, transpose_lhs_hint = false} : vector<256x768xbf16>, vector<768x64xbf16>, vector<256x64xf32> -> vector<256x64xf32>
    %convert_element_type3A_166 = arith.truncf %dot_general3A_165 : vector<256x64xf32> to vector<256x64xbf16>
    %swap3A_167 = arith.constant 3 : index
    %swap3A_168 = arith.constant 0 : index
    %swap3A_169 = arith.constant 0 : index
    %swap3A_170 = vector.load %arg10[%swap3A_167, %swap3A_168, %swap3A_169] : memref<4x256x64xbf16, #tpu.memory_space<vmem>>, vector<1x256x64xbf16>
    %swap3A_171 = vector.shape_cast %swap3A_170 : vector<1x256x64xbf16> to vector<256x64xbf16>
    %swap3A_172 = vector.shape_cast %convert_element_type3A_166 : vector<256x64xbf16> to vector<1x256x64xbf16>
    tpu.vector_store %arg10[%swap3A_167, %swap3A_168, %swap3A_169], %swap3A_172 {strides = array<i32>} : memref<4x256x64xbf16, #tpu.memory_space<vmem>>, vector<1x256x64xbf16>,
    return
  }
  func.func @transform_0(%arg0: i32) -> (i32, i32) {
    %c0_i32 = arith.constant 0 : i32
    %c0_i32_0 = arith.constant 0 : i32
    return %arg0, %c0_i32 : i32, i32
  }
  func.func @transform_1(%arg0: i32) -> (i32, i32) {
    %c0_i32 = arith.constant 0 : i32
    %c0_i32_0 = arith.constant 0 : i32
    %c0_i32_1 = arith.constant 0 : i32
    return %c0_i32, %c0_i32_0 : i32, i32
  }
  func.func @transform_2(%arg0: i32) -> (i32, i32, i32) {
    %c0_i32 = arith.constant 0 : i32
    %c0_i32_0 = arith.constant 0 : i32
    %c0_i32_1 = arith.constant 0 : i32
    %c0_i32_2 = arith.constant 0 : i32
    return %c0_i32, %c0_i32_0, %c0_i32_1 : i32, i32, i32
  }
  func.func @transform_3(%arg0: i32) -> (i32, i32, i32) {
    %c0_i32 = arith.constant 0 : i32
    %c0_i32_0 = arith.constant 0 : i32
    %c0_i32_1 = arith.constant 0 : i32
    %c0_i32_2 = arith.constant 0 : i32
    return %c0_i32, %c0_i32_0, %c0_i32_1 : i32, i32, i32
  }
  func.func @transform_4(%arg0: i32) -> (i32, i32, i32) {
    %c0_i32 = arith.constant 0 : i32
    %c0_i32_0 = arith.constant 0 : i32
    %c0_i32_1 = arith.constant 0 : i32
    %c0_i32_2 = arith.constant 0 : i32
    return %c0_i32, %c0_i32_0, %c0_i32_1 : i32, i32, i32
  }
  func.func @transform_5(%arg0: i32) -> (i32, i32) {
    %c0_i32 = arith.constant 0 : i32
    %c0_i32_0 = arith.constant 0 : i32
    return %arg0, %c0_i32 : i32, i32
  }
  func.func @transform_6(%arg0: i32) -> (i32, i32) {
    %c0_i32 = arith.constant 0 : i32
    %c0_i32_0 = arith.constant 0 : i32
    return %arg0, %c0_i32 : i32, i32
  }
  func.func @transform_7(%arg0: i32) -> (i32, i32) {
    %c0_i32 = arith.constant 0 : i32
    %c0_i32_0 = arith.constant 0 : i32
    return %arg0, %c0_i32 : i32, i32
  }
  func.func @transform_8(%arg0: i32) -> (i32, i32, i32) {
    %c0_i32 = arith.constant 0 : i32
    %c0_i32_0 = arith.constant 0 : i32
    %c0_i32_1 = arith.constant 0 : i32
    return %c0_i32, %arg0, %c0_i32_0 : i32, i32, i32
  }
  func.func @transform_9(%arg0: i32) -> (i32, i32, i32) {
    %c0_i32 = arith.constant 0 : i32
    %c0_i32_0 = arith.constant 0 : i32
    %c0_i32_1 = arith.constant 0 : i32
    return %c0_i32, %arg0, %c0_i32_0 : i32, i32, i32
  }
}

module attributes {stable_mosaic.version = 14 : i64} {
  func.func @_attn_body(%arg0: i32, %arg1: memref<256x768xf32, #tpu.memory_space<vmem>>, %arg2: memref<256x768xf32, #tpu.memory_space<vmem>>, %arg3: memref<12x768x64xbf16, #tpu.memory_space<vmem>>, %arg4: memref<12x768x64xbf16, #tpu.memory_space<vmem>>, %arg5: memref<256x64xf32, #tpu.memory_space<vmem>>, %arg6: memref<256x64xf32, #tpu.memory_space<vmem>>, %arg7: memref<4x2048x64xbf16, #tpu.memory_space<vmem>>, %arg8: memref<4x2048x64xbf16, #tpu.memory_space<vmem>>, %arg9: memref<12x64x768xbf16, #tpu.memory_space<vmem>>, %arg10: memref<256x768xf32, #tpu.memory_space<vmem>>) attributes {dimension_semantics = [#tpu.dimension_semantics<arbitrary>], iteration_bounds = array<i64: 8>, scalar_prefetch = 0 : i64, scratch_operands = 0 : i64, tpu.core_type = #tpu.core_type<tc>, window_params = [{transform_indices = @transform_0, window_bounds = array<i64: 256, 768>}, {transform_indices = @transform_1, window_bounds = array<i64: 256, 768>}, {pipeline_mode = #tpu.pipeline_mode<synchronous>, transform_indices = @transform_2, window_bounds = array<i64: 12, 768, 64>}, {pipeline_mode = #tpu.pipeline_mode<synchronous>, transform_indices = @transform_3, window_bounds = array<i64: 12, 768, 64>}, {transform_indices = @transform_4, window_bounds = array<i64: 256, 64>}, {transform_indices = @transform_5, window_bounds = array<i64: 256, 64>}, {pipeline_mode = #tpu.pipeline_mode<synchronous>, transform_indices = @transform_6, window_bounds = array<i64: 4, 2048, 64>}, {pipeline_mode = #tpu.pipeline_mode<synchronous>, transform_indices = @transform_7, window_bounds = array<i64: 4, 2048, 64>}, {pipeline_mode = #tpu.pipeline_mode<synchronous>, transform_indices = @transform_8, window_bounds = array<i64: 12, 64, 768>}, {transform_indices = @transform_9, window_bounds = array<i64: 256, 768>}]} {
    %get3A = arith.constant 0 : index
    %get3A_0 = arith.constant 0 : index
    %get3A_1 = vector.load %arg1[%get3A, %get3A_0] : memref<256x768xf32, #tpu.memory_space<vmem>>, vector<256x768xf32>
    %convert_element_type3A = arith.truncf %get3A_1 : vector<256x768xf32> to vector<256x768xbf16>
    %get3A_2 = arith.constant 0 : index
    %get3A_3 = arith.constant 0 : index
    %get3A_4 = vector.load %arg5[%get3A_2, %get3A_3] : memref<256x64xf32, #tpu.memory_space<vmem>>, vector<256x64xf32>
    %get3A_5 = arith.constant 0 : index
    %get3A_6 = arith.constant 0 : index
    %get3A_7 = vector.load %arg6[%get3A_5, %get3A_6] : memref<256x64xf32, #tpu.memory_space<vmem>>, vector<256x64xf32>
    %mul3A = arith.constant 256 : i32
    %mul3A_8 = arith.muli %arg0, %mul3A : i32
    %iota3A = tpu.iota {dimensions = array<i32: 0>} : vector<256x2048xi32>
    %add3A = vector.broadcast %mul3A_8 : i32 to vector<256x2048xi32>
    %add3A_9 = arith.addi %add3A, %iota3A : vector<256x2048xi32>
    %iota3A_10 = tpu.iota {dimensions = array<i32: 1>} : vector<256x2048xi32>
    %le3A = arith.cmpi sle, %iota3A_10, %add3A_9 : vector<256x2048xi32>
    %get3A_11 = arith.constant 0 : index
    %get3A_12 = arith.constant 0 : index
    %get3A_13 = vector.load %arg2[%get3A_11, %get3A_12] : memref<256x768xf32, #tpu.memory_space<vmem>>, vector<256x768xf32>
    %get3A_14 = arith.constant 0 : index
    %get3A_15 = arith.constant 0 : index
    %get3A_16 = arith.constant 0 : index
    %get3A_17 = vector.load %arg3[%get3A_14, %get3A_15, %get3A_16] : memref<12x768x64xbf16, #tpu.memory_space<vmem>>, vector<1x768x64xbf16>
    %get3A_18 = vector.shape_cast %get3A_17 : vector<1x768x64xbf16> to vector<768x64xbf16>
    %dot_general3A = arith.constant dense<0.000000e+00> : vector<256x64xf32>
    %dot_general3A_19 = tpu.matmul %convert_element_type3A, %get3A_18, %dot_general3A {dimension_numbers = #tpu.dot_dimension_numbers<[1], [0], [0], [1], [0, 0, 1, 1], [], []>, transpose_lhs_hint = false} : vector<256x768xbf16>, vector<768x64xbf16>, vector<256x64xf32> -> vector<256x64xf32>
    %get3A_20 = arith.constant 0 : index
    %get3A_21 = arith.constant 0 : index
    %get3A_22 = arith.constant 0 : index
    %get3A_23 = vector.load %arg4[%get3A_20, %get3A_21, %get3A_22] : memref<12x768x64xbf16, #tpu.memory_space<vmem>>, vector<1x768x64xbf16>
    %get3A_24 = vector.shape_cast %get3A_23 : vector<1x768x64xbf16> to vector<768x64xbf16>
    %dot_general3A_25 = arith.constant dense<0.000000e+00> : vector<256x64xf32>
    %dot_general3A_26 = tpu.matmul %convert_element_type3A, %get3A_24, %dot_general3A_25 {dimension_numbers = #tpu.dot_dimension_numbers<[1], [0], [0], [1], [0, 0, 1, 1], [], []>, transpose_lhs_hint = false} : vector<256x768xbf16>, vector<768x64xbf16>, vector<256x64xf32> -> vector<256x64xf32>
    %mul3A_27 = arith.mulf %dot_general3A_19, %get3A_4 : vector<256x64xf32>
    %mul3A_28 = arith.mulf %dot_general3A_26, %get3A_7 : vector<256x64xf32>
    %add3A_29 = arith.addf %mul3A_27, %mul3A_28 : vector<256x64xf32>
    %mul3A_30 = arith.constant 1.250000e-01 : f32
    %mul3A_31 = vector.broadcast %mul3A_30 : f32 to vector<256x64xf32>
    %mul3A_32 = arith.mulf %add3A_29, %mul3A_31 : vector<256x64xf32>
    %convert_element_type3A_33 = arith.truncf %mul3A_32 : vector<256x64xf32> to vector<256x64xbf16>
    %get3A_34 = arith.constant 0 : index
    %get3A_35 = arith.constant 0 : index
    %get3A_36 = arith.constant 0 : index
    %get3A_37 = vector.load %arg7[%get3A_34, %get3A_35, %get3A_36] : memref<4x2048x64xbf16, #tpu.memory_space<vmem>>, vector<1x2048x64xbf16>
    %get3A_38 = vector.shape_cast %get3A_37 : vector<1x2048x64xbf16> to vector<2048x64xbf16>
    %dot_general3A_39 = arith.constant dense<0.000000e+00> : vector<256x2048xf32>
    %dot_general3A_40 = tpu.matmul %convert_element_type3A_33, %get3A_38, %dot_general3A_39 {dimension_numbers = #tpu.dot_dimension_numbers<[1], [1], [0], [0], [0, 0, 1, 0], [], []>, transpose_lhs_hint = false} : vector<256x64xbf16>, vector<2048x64xbf16>, vector<256x2048xf32> -> vector<256x2048xf32>
    %jit3A = arith.constant -1.000000e+30 : f32
    %broadcast_in_dim3A = vector.broadcast %jit3A : f32 to vector<256x2048xf32>
    %select_n3A = arith.select %le3A, %dot_general3A_40, %broadcast_in_dim3A : vector<256x2048xi1>, vector<256x2048xf32>
    %reduce_max3A = arith.constant dense<0xFF800000> : vector<256xf32>
    %reduce_max3A_41 = vector.multi_reduction <maximumf>, %select_n3A, %reduce_max3A [1] : vector<256x2048xf32> to vector<256xf32>
    %broadcast_in_dim3A_42 = vector.shape_cast %reduce_max3A_41 : vector<256xf32> to vector<256x1xf32>
    %sub3A = vector.broadcast %broadcast_in_dim3A_42 : vector<256x1xf32> to vector<256x2048xf32>
    %sub3A_43 = arith.subf %select_n3A, %sub3A : vector<256x2048xf32>
    %exp3A = math.exp %sub3A_43 : vector<256x2048xf32>
    %reduce_sum3A = arith.constant dense<0.000000e+00> : vector<256xf32>
    %reduce_sum3A_44 = vector.multi_reduction <add>, %exp3A, %reduce_sum3A [1] : vector<256x2048xf32> to vector<256xf32>
    %broadcast_in_dim3A_45 = vector.shape_cast %reduce_sum3A_44 : vector<256xf32> to vector<256x1xf32>
    %div3A = vector.broadcast %broadcast_in_dim3A_45 : vector<256x1xf32> to vector<256x2048xf32>
    %div3A_46 = arith.divf %exp3A, %div3A : vector<256x2048xf32>
    %convert_element_type3A_47 = arith.truncf %div3A_46 : vector<256x2048xf32> to vector<256x2048xbf16>
    %get3A_48 = arith.constant 0 : index
    %get3A_49 = arith.constant 0 : index
    %get3A_50 = arith.constant 0 : index
    %get3A_51 = vector.load %arg8[%get3A_48, %get3A_49, %get3A_50] : memref<4x2048x64xbf16, #tpu.memory_space<vmem>>, vector<1x2048x64xbf16>
    %get3A_52 = vector.shape_cast %get3A_51 : vector<1x2048x64xbf16> to vector<2048x64xbf16>
    %dot_general3A_53 = arith.constant dense<0.000000e+00> : vector<256x64xf32>
    %dot_general3A_54 = tpu.matmul %convert_element_type3A_47, %get3A_52, %dot_general3A_53 {dimension_numbers = #tpu.dot_dimension_numbers<[1], [0], [0], [1], [0, 0, 1, 1], [], []>, transpose_lhs_hint = false} : vector<256x2048xbf16>, vector<2048x64xbf16>, vector<256x64xf32> -> vector<256x64xf32>
    %convert_element_type3A_55 = arith.truncf %dot_general3A_54 : vector<256x64xf32> to vector<256x64xbf16>
    %get3A_56 = arith.constant 0 : index
    %get3A_57 = arith.constant 0 : index
    %get3A_58 = arith.constant 0 : index
    %get3A_59 = vector.load %arg9[%get3A_56, %get3A_57, %get3A_58] : memref<12x64x768xbf16, #tpu.memory_space<vmem>>, vector<1x64x768xbf16>
    %get3A_60 = vector.shape_cast %get3A_59 : vector<1x64x768xbf16> to vector<64x768xbf16>
    %dot_general3A_61 = arith.constant dense<0.000000e+00> : vector<256x768xf32>
    %dot_general3A_62 = tpu.matmul %convert_element_type3A_55, %get3A_60, %dot_general3A_61 {dimension_numbers = #tpu.dot_dimension_numbers<[1], [0], [0], [1], [0, 0, 1, 1], [], []>, transpose_lhs_hint = false} : vector<256x64xbf16>, vector<64x768xbf16>, vector<256x768xf32> -> vector<256x768xf32>
    %add3A_63 = arith.addf %get3A_13, %dot_general3A_62 : vector<256x768xf32>
    %get3A_64 = arith.constant 1 : index
    %get3A_65 = arith.constant 0 : index
    %get3A_66 = arith.constant 0 : index
    %get3A_67 = vector.load %arg3[%get3A_64, %get3A_65, %get3A_66] : memref<12x768x64xbf16, #tpu.memory_space<vmem>>, vector<1x768x64xbf16>
    %get3A_68 = vector.shape_cast %get3A_67 : vector<1x768x64xbf16> to vector<768x64xbf16>
    %dot_general3A_69 = arith.constant dense<0.000000e+00> : vector<256x64xf32>
    %dot_general3A_70 = tpu.matmul %convert_element_type3A, %get3A_68, %dot_general3A_69 {dimension_numbers = #tpu.dot_dimension_numbers<[1], [0], [0], [1], [0, 0, 1, 1], [], []>, transpose_lhs_hint = false} : vector<256x768xbf16>, vector<768x64xbf16>, vector<256x64xf32> -> vector<256x64xf32>
    %get3A_71 = arith.constant 1 : index
    %get3A_72 = arith.constant 0 : index
    %get3A_73 = arith.constant 0 : index
    %get3A_74 = vector.load %arg4[%get3A_71, %get3A_72, %get3A_73] : memref<12x768x64xbf16, #tpu.memory_space<vmem>>, vector<1x768x64xbf16>
    %get3A_75 = vector.shape_cast %get3A_74 : vector<1x768x64xbf16> to vector<768x64xbf16>
    %dot_general3A_76 = arith.constant dense<0.000000e+00> : vector<256x64xf32>
    %dot_general3A_77 = tpu.matmul %convert_element_type3A, %get3A_75, %dot_general3A_76 {dimension_numbers = #tpu.dot_dimension_numbers<[1], [0], [0], [1], [0, 0, 1, 1], [], []>, transpose_lhs_hint = false} : vector<256x768xbf16>, vector<768x64xbf16>, vector<256x64xf32> -> vector<256x64xf32>
    %mul3A_78 = arith.mulf %dot_general3A_70, %get3A_4 : vector<256x64xf32>
    %mul3A_79 = arith.mulf %dot_general3A_77, %get3A_7 : vector<256x64xf32>
    %add3A_80 = arith.addf %mul3A_78, %mul3A_79 : vector<256x64xf32>
    %mul3A_81 = arith.constant 1.250000e-01 : f32
    %mul3A_82 = vector.broadcast %mul3A_81 : f32 to vector<256x64xf32>
    %mul3A_83 = arith.mulf %add3A_80, %mul3A_82 : vector<256x64xf32>
    %convert_element_type3A_84 = arith.truncf %mul3A_83 : vector<256x64xf32> to vector<256x64xbf16>
    %get3A_85 = arith.constant 0 : index
    %get3A_86 = arith.constant 0 : index
    %get3A_87 = arith.constant 0 : index
    %get3A_88 = vector.load %arg7[%get3A_85, %get3A_86, %get3A_87] : memref<4x2048x64xbf16, #tpu.memory_space<vmem>>, vector<1x2048x64xbf16>
    %get3A_89 = vector.shape_cast %get3A_88 : vector<1x2048x64xbf16> to vector<2048x64xbf16>
    %dot_general3A_90 = arith.constant dense<0.000000e+00> : vector<256x2048xf32>
    %dot_general3A_91 = tpu.matmul %convert_element_type3A_84, %get3A_89, %dot_general3A_90 {dimension_numbers = #tpu.dot_dimension_numbers<[1], [1], [0], [0], [0, 0, 1, 0], [], []>, transpose_lhs_hint = false} : vector<256x64xbf16>, vector<2048x64xbf16>, vector<256x2048xf32> -> vector<256x2048xf32>
    %jit3A_92 = arith.constant -1.000000e+30 : f32
    %broadcast_in_dim3A_93 = vector.broadcast %jit3A_92 : f32 to vector<256x2048xf32>
    %select_n3A_94 = arith.select %le3A, %dot_general3A_91, %broadcast_in_dim3A_93 : vector<256x2048xi1>, vector<256x2048xf32>
    %reduce_max3A_95 = arith.constant dense<0xFF800000> : vector<256xf32>
    %reduce_max3A_96 = vector.multi_reduction <maximumf>, %select_n3A_94, %reduce_max3A_95 [1] : vector<256x2048xf32> to vector<256xf32>
    %broadcast_in_dim3A_97 = vector.shape_cast %reduce_max3A_96 : vector<256xf32> to vector<256x1xf32>
    %sub3A_98 = vector.broadcast %broadcast_in_dim3A_97 : vector<256x1xf32> to vector<256x2048xf32>
    %sub3A_99 = arith.subf %select_n3A_94, %sub3A_98 : vector<256x2048xf32>
    %exp3A_100 = math.exp %sub3A_99 : vector<256x2048xf32>
    %reduce_sum3A_101 = arith.constant dense<0.000000e+00> : vector<256xf32>
    %reduce_sum3A_102 = vector.multi_reduction <add>, %exp3A_100, %reduce_sum3A_101 [1] : vector<256x2048xf32> to vector<256xf32>
    %broadcast_in_dim3A_103 = vector.shape_cast %reduce_sum3A_102 : vector<256xf32> to vector<256x1xf32>
    %div3A_104 = vector.broadcast %broadcast_in_dim3A_103 : vector<256x1xf32> to vector<256x2048xf32>
    %div3A_105 = arith.divf %exp3A_100, %div3A_104 : vector<256x2048xf32>
    %convert_element_type3A_106 = arith.truncf %div3A_105 : vector<256x2048xf32> to vector<256x2048xbf16>
    %get3A_107 = arith.constant 0 : index
    %get3A_108 = arith.constant 0 : index
    %get3A_109 = arith.constant 0 : index
    %get3A_110 = vector.load %arg8[%get3A_107, %get3A_108, %get3A_109] : memref<4x2048x64xbf16, #tpu.memory_space<vmem>>, vector<1x2048x64xbf16>
    %get3A_111 = vector.shape_cast %get3A_110 : vector<1x2048x64xbf16> to vector<2048x64xbf16>
    %dot_general3A_112 = arith.constant dense<0.000000e+00> : vector<256x64xf32>
    %dot_general3A_113 = tpu.matmul %convert_element_type3A_106, %get3A_111, %dot_general3A_112 {dimension_numbers = #tpu.dot_dimension_numbers<[1], [0], [0], [1], [0, 0, 1, 1], [], []>, transpose_lhs_hint = false} : vector<256x2048xbf16>, vector<2048x64xbf16>, vector<256x64xf32> -> vector<256x64xf32>
    %convert_element_type3A_114 = arith.truncf %dot_general3A_113 : vector<256x64xf32> to vector<256x64xbf16>
    %get3A_115 = arith.constant 1 : index
    %get3A_116 = arith.constant 0 : index
    %get3A_117 = arith.constant 0 : index
    %get3A_118 = vector.load %arg9[%get3A_115, %get3A_116, %get3A_117] : memref<12x64x768xbf16, #tpu.memory_space<vmem>>, vector<1x64x768xbf16>
    %get3A_119 = vector.shape_cast %get3A_118 : vector<1x64x768xbf16> to vector<64x768xbf16>
    %dot_general3A_120 = arith.constant dense<0.000000e+00> : vector<256x768xf32>
    %dot_general3A_121 = tpu.matmul %convert_element_type3A_114, %get3A_119, %dot_general3A_120 {dimension_numbers = #tpu.dot_dimension_numbers<[1], [0], [0], [1], [0, 0, 1, 1], [], []>, transpose_lhs_hint = false} : vector<256x64xbf16>, vector<64x768xbf16>, vector<256x768xf32> -> vector<256x768xf32>
    %add3A_122 = arith.addf %add3A_63, %dot_general3A_121 : vector<256x768xf32>
    %get3A_123 = arith.constant 2 : index
    %get3A_124 = arith.constant 0 : index
    %get3A_125 = arith.constant 0 : index
    %get3A_126 = vector.load %arg3[%get3A_123, %get3A_124, %get3A_125] : memref<12x768x64xbf16, #tpu.memory_space<vmem>>, vector<1x768x64xbf16>
    %get3A_127 = vector.shape_cast %get3A_126 : vector<1x768x64xbf16> to vector<768x64xbf16>
    %dot_general3A_128 = arith.constant dense<0.000000e+00> : vector<256x64xf32>
    %dot_general3A_129 = tpu.matmul %convert_element_type3A, %get3A_127, %dot_general3A_128 {dimension_numbers = #tpu.dot_dimension_numbers<[1], [0], [0], [1], [0, 0, 1, 1], [], []>, transpose_lhs_hint = false} : vector<256x768xbf16>, vector<768x64xbf16>, vector<256x64xf32> -> vector<256x64xf32>
    %get3A_130 = arith.constant 2 : index
    %get3A_131 = arith.constant 0 : index
    %get3A_132 = arith.constant 0 : index
    %get3A_133 = vector.load %arg4[%get3A_130, %get3A_131, %get3A_132] : memref<12x768x64xbf16, #tpu.memory_space<vmem>>, vector<1x768x64xbf16>
    %get3A_134 = vector.shape_cast %get3A_133 : vector<1x768x64xbf16> to vector<768x64xbf16>
    %dot_general3A_135 = arith.constant dense<0.000000e+00> : vector<256x64xf32>
    %dot_general3A_136 = tpu.matmul %convert_element_type3A, %get3A_134, %dot_general3A_135 {dimension_numbers = #tpu.dot_dimension_numbers<[1], [0], [0], [1], [0, 0, 1, 1], [], []>, transpose_lhs_hint = false} : vector<256x768xbf16>, vector<768x64xbf16>, vector<256x64xf32> -> vector<256x64xf32>
    %mul3A_137 = arith.mulf %dot_general3A_129, %get3A_4 : vector<256x64xf32>
    %mul3A_138 = arith.mulf %dot_general3A_136, %get3A_7 : vector<256x64xf32>
    %add3A_139 = arith.addf %mul3A_137, %mul3A_138 : vector<256x64xf32>
    %mul3A_140 = arith.constant 1.250000e-01 : f32
    %mul3A_141 = vector.broadcast %mul3A_140 : f32 to vector<256x64xf32>
    %mul3A_142 = arith.mulf %add3A_139, %mul3A_141 : vector<256x64xf32>
    %convert_element_type3A_143 = arith.truncf %mul3A_142 : vector<256x64xf32> to vector<256x64xbf16>
    %get3A_144 = arith.constant 0 : index
    %get3A_145 = arith.constant 0 : index
    %get3A_146 = arith.constant 0 : index
    %get3A_147 = vector.load %arg7[%get3A_144, %get3A_145, %get3A_146] : memref<4x2048x64xbf16, #tpu.memory_space<vmem>>, vector<1x2048x64xbf16>
    %get3A_148 = vector.shape_cast %get3A_147 : vector<1x2048x64xbf16> to vector<2048x64xbf16>
    %dot_general3A_149 = arith.constant dense<0.000000e+00> : vector<256x2048xf32>
    %dot_general3A_150 = tpu.matmul %convert_element_type3A_143, %get3A_148, %dot_general3A_149 {dimension_numbers = #tpu.dot_dimension_numbers<[1], [1], [0], [0], [0, 0, 1, 0], [], []>, transpose_lhs_hint = false} : vector<256x64xbf16>, vector<2048x64xbf16>, vector<256x2048xf32> -> vector<256x2048xf32>
    %jit3A_151 = arith.constant -1.000000e+30 : f32
    %broadcast_in_dim3A_152 = vector.broadcast %jit3A_151 : f32 to vector<256x2048xf32>
    %select_n3A_153 = arith.select %le3A, %dot_general3A_150, %broadcast_in_dim3A_152 : vector<256x2048xi1>, vector<256x2048xf32>
    %reduce_max3A_154 = arith.constant dense<0xFF800000> : vector<256xf32>
    %reduce_max3A_155 = vector.multi_reduction <maximumf>, %select_n3A_153, %reduce_max3A_154 [1] : vector<256x2048xf32> to vector<256xf32>
    %broadcast_in_dim3A_156 = vector.shape_cast %reduce_max3A_155 : vector<256xf32> to vector<256x1xf32>
    %sub3A_157 = vector.broadcast %broadcast_in_dim3A_156 : vector<256x1xf32> to vector<256x2048xf32>
    %sub3A_158 = arith.subf %select_n3A_153, %sub3A_157 : vector<256x2048xf32>
    %exp3A_159 = math.exp %sub3A_158 : vector<256x2048xf32>
    %reduce_sum3A_160 = arith.constant dense<0.000000e+00> : vector<256xf32>
    %reduce_sum3A_161 = vector.multi_reduction <add>, %exp3A_159, %reduce_sum3A_160 [1] : vector<256x2048xf32> to vector<256xf32>
    %broadcast_in_dim3A_162 = vector.shape_cast %reduce_sum3A_161 : vector<256xf32> to vector<256x1xf32>
    %div3A_163 = vector.broadcast %broadcast_in_dim3A_162 : vector<256x1xf32> to vector<256x2048xf32>
    %div3A_164 = arith.divf %exp3A_159, %div3A_163 : vector<256x2048xf32>
    %convert_element_type3A_165 = arith.truncf %div3A_164 : vector<256x2048xf32> to vector<256x2048xbf16>
    %get3A_166 = arith.constant 0 : index
    %get3A_167 = arith.constant 0 : index
    %get3A_168 = arith.constant 0 : index
    %get3A_169 = vector.load %arg8[%get3A_166, %get3A_167, %get3A_168] : memref<4x2048x64xbf16, #tpu.memory_space<vmem>>, vector<1x2048x64xbf16>
    %get3A_170 = vector.shape_cast %get3A_169 : vector<1x2048x64xbf16> to vector<2048x64xbf16>
    %dot_general3A_171 = arith.constant dense<0.000000e+00> : vector<256x64xf32>
    %dot_general3A_172 = tpu.matmul %convert_element_type3A_165, %get3A_170, %dot_general3A_171 {dimension_numbers = #tpu.dot_dimension_numbers<[1], [0], [0], [1], [0, 0, 1, 1], [], []>, transpose_lhs_hint = false} : vector<256x2048xbf16>, vector<2048x64xbf16>, vector<256x64xf32> -> vector<256x64xf32>
    %convert_element_type3A_173 = arith.truncf %dot_general3A_172 : vector<256x64xf32> to vector<256x64xbf16>
    %get3A_174 = arith.constant 2 : index
    %get3A_175 = arith.constant 0 : index
    %get3A_176 = arith.constant 0 : index
    %get3A_177 = vector.load %arg9[%get3A_174, %get3A_175, %get3A_176] : memref<12x64x768xbf16, #tpu.memory_space<vmem>>, vector<1x64x768xbf16>
    %get3A_178 = vector.shape_cast %get3A_177 : vector<1x64x768xbf16> to vector<64x768xbf16>
    %dot_general3A_179 = arith.constant dense<0.000000e+00> : vector<256x768xf32>
    %dot_general3A_180 = tpu.matmul %convert_element_type3A_173, %get3A_178, %dot_general3A_179 {dimension_numbers = #tpu.dot_dimension_numbers<[1], [0], [0], [1], [0, 0, 1, 1], [], []>, transpose_lhs_hint = false} : vector<256x64xbf16>, vector<64x768xbf16>, vector<256x768xf32> -> vector<256x768xf32>
    %add3A_181 = arith.addf %add3A_122, %dot_general3A_180 : vector<256x768xf32>
    %get3A_182 = arith.constant 3 : index
    %get3A_183 = arith.constant 0 : index
    %get3A_184 = arith.constant 0 : index
    %get3A_185 = vector.load %arg3[%get3A_182, %get3A_183, %get3A_184] : memref<12x768x64xbf16, #tpu.memory_space<vmem>>, vector<1x768x64xbf16>
    %get3A_186 = vector.shape_cast %get3A_185 : vector<1x768x64xbf16> to vector<768x64xbf16>
    %dot_general3A_187 = arith.constant dense<0.000000e+00> : vector<256x64xf32>
    %dot_general3A_188 = tpu.matmul %convert_element_type3A, %get3A_186, %dot_general3A_187 {dimension_numbers = #tpu.dot_dimension_numbers<[1], [0], [0], [1], [0, 0, 1, 1], [], []>, transpose_lhs_hint = false} : vector<256x768xbf16>, vector<768x64xbf16>, vector<256x64xf32> -> vector<256x64xf32>
    %get3A_189 = arith.constant 3 : index
    %get3A_190 = arith.constant 0 : index
    %get3A_191 = arith.constant 0 : index
    %get3A_192 = vector.load %arg4[%get3A_189, %get3A_190, %get3A_191] : memref<12x768x64xbf16, #tpu.memory_space<vmem>>, vector<1x768x64xbf16>
    %get3A_193 = vector.shape_cast %get3A_192 : vector<1x768x64xbf16> to vector<768x64xbf16>
    %dot_general3A_194 = arith.constant dense<0.000000e+00> : vector<256x64xf32>
    %dot_general3A_195 = tpu.matmul %convert_element_type3A, %get3A_193, %dot_general3A_194 {dimension_numbers = #tpu.dot_dimension_numbers<[1], [0], [0], [1], [0, 0, 1, 1], [], []>, transpose_lhs_hint = false} : vector<256x768xbf16>, vector<768x64xbf16>, vector<256x64xf32> -> vector<256x64xf32>
    %mul3A_196 = arith.mulf %dot_general3A_188, %get3A_4 : vector<256x64xf32>
    %mul3A_197 = arith.mulf %dot_general3A_195, %get3A_7 : vector<256x64xf32>
    %add3A_198 = arith.addf %mul3A_196, %mul3A_197 : vector<256x64xf32>
    %mul3A_199 = arith.constant 1.250000e-01 : f32
    %mul3A_200 = vector.broadcast %mul3A_199 : f32 to vector<256x64xf32>
    %mul3A_201 = arith.mulf %add3A_198, %mul3A_200 : vector<256x64xf32>
    %convert_element_type3A_202 = arith.truncf %mul3A_201 : vector<256x64xf32> to vector<256x64xbf16>
    %get3A_203 = arith.constant 1 : index
    %get3A_204 = arith.constant 0 : index
    %get3A_205 = arith.constant 0 : index
    %get3A_206 = vector.load %arg7[%get3A_203, %get3A_204, %get3A_205] : memref<4x2048x64xbf16, #tpu.memory_space<vmem>>, vector<1x2048x64xbf16>
    %get3A_207 = vector.shape_cast %get3A_206 : vector<1x2048x64xbf16> to vector<2048x64xbf16>
    %dot_general3A_208 = arith.constant dense<0.000000e+00> : vector<256x2048xf32>
    %dot_general3A_209 = tpu.matmul %convert_element_type3A_202, %get3A_207, %dot_general3A_208 {dimension_numbers = #tpu.dot_dimension_numbers<[1], [1], [0], [0], [0, 0, 1, 0], [], []>, transpose_lhs_hint = false} : vector<256x64xbf16>, vector<2048x64xbf16>, vector<256x2048xf32> -> vector<256x2048xf32>
    %jit3A_210 = arith.constant -1.000000e+30 : f32
    %broadcast_in_dim3A_211 = vector.broadcast %jit3A_210 : f32 to vector<256x2048xf32>
    %select_n3A_212 = arith.select %le3A, %dot_general3A_209, %broadcast_in_dim3A_211 : vector<256x2048xi1>, vector<256x2048xf32>
    %reduce_max3A_213 = arith.constant dense<0xFF800000> : vector<256xf32>
    %reduce_max3A_214 = vector.multi_reduction <maximumf>, %select_n3A_212, %reduce_max3A_213 [1] : vector<256x2048xf32> to vector<256xf32>
    %broadcast_in_dim3A_215 = vector.shape_cast %reduce_max3A_214 : vector<256xf32> to vector<256x1xf32>
    %sub3A_216 = vector.broadcast %broadcast_in_dim3A_215 : vector<256x1xf32> to vector<256x2048xf32>
    %sub3A_217 = arith.subf %select_n3A_212, %sub3A_216 : vector<256x2048xf32>
    %exp3A_218 = math.exp %sub3A_217 : vector<256x2048xf32>
    %reduce_sum3A_219 = arith.constant dense<0.000000e+00> : vector<256xf32>
    %reduce_sum3A_220 = vector.multi_reduction <add>, %exp3A_218, %reduce_sum3A_219 [1] : vector<256x2048xf32> to vector<256xf32>
    %broadcast_in_dim3A_221 = vector.shape_cast %reduce_sum3A_220 : vector<256xf32> to vector<256x1xf32>
    %div3A_222 = vector.broadcast %broadcast_in_dim3A_221 : vector<256x1xf32> to vector<256x2048xf32>
    %div3A_223 = arith.divf %exp3A_218, %div3A_222 : vector<256x2048xf32>
    %convert_element_type3A_224 = arith.truncf %div3A_223 : vector<256x2048xf32> to vector<256x2048xbf16>
    %get3A_225 = arith.constant 1 : index
    %get3A_226 = arith.constant 0 : index
    %get3A_227 = arith.constant 0 : index
    %get3A_228 = vector.load %arg8[%get3A_225, %get3A_226, %get3A_227] : memref<4x2048x64xbf16, #tpu.memory_space<vmem>>, vector<1x2048x64xbf16>
    %get3A_229 = vector.shape_cast %get3A_228 : vector<1x2048x64xbf16> to vector<2048x64xbf16>
    %dot_general3A_230 = arith.constant dense<0.000000e+00> : vector<256x64xf32>
    %dot_general3A_231 = tpu.matmul %convert_element_type3A_224, %get3A_229, %dot_general3A_230 {dimension_numbers = #tpu.dot_dimension_numbers<[1], [0], [0], [1], [0, 0, 1, 1], [], []>, transpose_lhs_hint = false} : vector<256x2048xbf16>, vector<2048x64xbf16>, vector<256x64xf32> -> vector<256x64xf32>
    %convert_element_type3A_232 = arith.truncf %dot_general3A_231 : vector<256x64xf32> to vector<256x64xbf16>
    %get3A_233 = arith.constant 3 : index
    %get3A_234 = arith.constant 0 : index
    %get3A_235 = arith.constant 0 : index
    %get3A_236 = vector.load %arg9[%get3A_233, %get3A_234, %get3A_235] : memref<12x64x768xbf16, #tpu.memory_space<vmem>>, vector<1x64x768xbf16>
    %get3A_237 = vector.shape_cast %get3A_236 : vector<1x64x768xbf16> to vector<64x768xbf16>
    %dot_general3A_238 = arith.constant dense<0.000000e+00> : vector<256x768xf32>
    %dot_general3A_239 = tpu.matmul %convert_element_type3A_232, %get3A_237, %dot_general3A_238 {dimension_numbers = #tpu.dot_dimension_numbers<[1], [0], [0], [1], [0, 0, 1, 1], [], []>, transpose_lhs_hint = false} : vector<256x64xbf16>, vector<64x768xbf16>, vector<256x768xf32> -> vector<256x768xf32>
    %add3A_240 = arith.addf %add3A_181, %dot_general3A_239 : vector<256x768xf32>
    %get3A_241 = arith.constant 4 : index
    %get3A_242 = arith.constant 0 : index
    %get3A_243 = arith.constant 0 : index
    %get3A_244 = vector.load %arg3[%get3A_241, %get3A_242, %get3A_243] : memref<12x768x64xbf16, #tpu.memory_space<vmem>>, vector<1x768x64xbf16>
    %get3A_245 = vector.shape_cast %get3A_244 : vector<1x768x64xbf16> to vector<768x64xbf16>
    %dot_general3A_246 = arith.constant dense<0.000000e+00> : vector<256x64xf32>
    %dot_general3A_247 = tpu.matmul %convert_element_type3A, %get3A_245, %dot_general3A_246 {dimension_numbers = #tpu.dot_dimension_numbers<[1], [0], [0], [1], [0, 0, 1, 1], [], []>, transpose_lhs_hint = false} : vector<256x768xbf16>, vector<768x64xbf16>, vector<256x64xf32> -> vector<256x64xf32>
    %get3A_248 = arith.constant 4 : index
    %get3A_249 = arith.constant 0 : index
    %get3A_250 = arith.constant 0 : index
    %get3A_251 = vector.load %arg4[%get3A_248, %get3A_249, %get3A_250] : memref<12x768x64xbf16, #tpu.memory_space<vmem>>, vector<1x768x64xbf16>
    %get3A_252 = vector.shape_cast %get3A_251 : vector<1x768x64xbf16> to vector<768x64xbf16>
    %dot_general3A_253 = arith.constant dense<0.000000e+00> : vector<256x64xf32>
    %dot_general3A_254 = tpu.matmul %convert_element_type3A, %get3A_252, %dot_general3A_253 {dimension_numbers = #tpu.dot_dimension_numbers<[1], [0], [0], [1], [0, 0, 1, 1], [], []>, transpose_lhs_hint = false} : vector<256x768xbf16>, vector<768x64xbf16>, vector<256x64xf32> -> vector<256x64xf32>
    %mul3A_255 = arith.mulf %dot_general3A_247, %get3A_4 : vector<256x64xf32>
    %mul3A_256 = arith.mulf %dot_general3A_254, %get3A_7 : vector<256x64xf32>
    %add3A_257 = arith.addf %mul3A_255, %mul3A_256 : vector<256x64xf32>
    %mul3A_258 = arith.constant 1.250000e-01 : f32
    %mul3A_259 = vector.broadcast %mul3A_258 : f32 to vector<256x64xf32>
    %mul3A_260 = arith.mulf %add3A_257, %mul3A_259 : vector<256x64xf32>
    %convert_element_type3A_261 = arith.truncf %mul3A_260 : vector<256x64xf32> to vector<256x64xbf16>
    %get3A_262 = arith.constant 1 : index
    %get3A_263 = arith.constant 0 : index
    %get3A_264 = arith.constant 0 : index
    %get3A_265 = vector.load %arg7[%get3A_262, %get3A_263, %get3A_264] : memref<4x2048x64xbf16, #tpu.memory_space<vmem>>, vector<1x2048x64xbf16>
    %get3A_266 = vector.shape_cast %get3A_265 : vector<1x2048x64xbf16> to vector<2048x64xbf16>
    %dot_general3A_267 = arith.constant dense<0.000000e+00> : vector<256x2048xf32>
    %dot_general3A_268 = tpu.matmul %convert_element_type3A_261, %get3A_266, %dot_general3A_267 {dimension_numbers = #tpu.dot_dimension_numbers<[1], [1], [0], [0], [0, 0, 1, 0], [], []>, transpose_lhs_hint = false} : vector<256x64xbf16>, vector<2048x64xbf16>, vector<256x2048xf32> -> vector<256x2048xf32>
    %jit3A_269 = arith.constant -1.000000e+30 : f32
    %broadcast_in_dim3A_270 = vector.broadcast %jit3A_269 : f32 to vector<256x2048xf32>
    %select_n3A_271 = arith.select %le3A, %dot_general3A_268, %broadcast_in_dim3A_270 : vector<256x2048xi1>, vector<256x2048xf32>
    %reduce_max3A_272 = arith.constant dense<0xFF800000> : vector<256xf32>
    %reduce_max3A_273 = vector.multi_reduction <maximumf>, %select_n3A_271, %reduce_max3A_272 [1] : vector<256x2048xf32> to vector<256xf32>
    %broadcast_in_dim3A_274 = vector.shape_cast %reduce_max3A_273 : vector<256xf32> to vector<256x1xf32>
    %sub3A_275 = vector.broadcast %broadcast_in_dim3A_274 : vector<256x1xf32> to vector<256x2048xf32>
    %sub3A_276 = arith.subf %select_n3A_271, %sub3A_275 : vector<256x2048xf32>
    %exp3A_277 = math.exp %sub3A_276 : vector<256x2048xf32>
    %reduce_sum3A_278 = arith.constant dense<0.000000e+00> : vector<256xf32>
    %reduce_sum3A_279 = vector.multi_reduction <add>, %exp3A_277, %reduce_sum3A_278 [1] : vector<256x2048xf32> to vector<256xf32>
    %broadcast_in_dim3A_280 = vector.shape_cast %reduce_sum3A_279 : vector<256xf32> to vector<256x1xf32>
    %div3A_281 = vector.broadcast %broadcast_in_dim3A_280 : vector<256x1xf32> to vector<256x2048xf32>
    %div3A_282 = arith.divf %exp3A_277, %div3A_281 : vector<256x2048xf32>
    %convert_element_type3A_283 = arith.truncf %div3A_282 : vector<256x2048xf32> to vector<256x2048xbf16>
    %get3A_284 = arith.constant 1 : index
    %get3A_285 = arith.constant 0 : index
    %get3A_286 = arith.constant 0 : index
    %get3A_287 = vector.load %arg8[%get3A_284, %get3A_285, %get3A_286] : memref<4x2048x64xbf16, #tpu.memory_space<vmem>>, vector<1x2048x64xbf16>
    %get3A_288 = vector.shape_cast %get3A_287 : vector<1x2048x64xbf16> to vector<2048x64xbf16>
    %dot_general3A_289 = arith.constant dense<0.000000e+00> : vector<256x64xf32>
    %dot_general3A_290 = tpu.matmul %convert_element_type3A_283, %get3A_288, %dot_general3A_289 {dimension_numbers = #tpu.dot_dimension_numbers<[1], [0], [0], [1], [0, 0, 1, 1], [], []>, transpose_lhs_hint = false} : vector<256x2048xbf16>, vector<2048x64xbf16>, vector<256x64xf32> -> vector<256x64xf32>
    %convert_element_type3A_291 = arith.truncf %dot_general3A_290 : vector<256x64xf32> to vector<256x64xbf16>
    %get3A_292 = arith.constant 4 : index
    %get3A_293 = arith.constant 0 : index
    %get3A_294 = arith.constant 0 : index
    %get3A_295 = vector.load %arg9[%get3A_292, %get3A_293, %get3A_294] : memref<12x64x768xbf16, #tpu.memory_space<vmem>>, vector<1x64x768xbf16>
    %get3A_296 = vector.shape_cast %get3A_295 : vector<1x64x768xbf16> to vector<64x768xbf16>
    %dot_general3A_297 = arith.constant dense<0.000000e+00> : vector<256x768xf32>
    %dot_general3A_298 = tpu.matmul %convert_element_type3A_291, %get3A_296, %dot_general3A_297 {dimension_numbers = #tpu.dot_dimension_numbers<[1], [0], [0], [1], [0, 0, 1, 1], [], []>, transpose_lhs_hint = false} : vector<256x64xbf16>, vector<64x768xbf16>, vector<256x768xf32> -> vector<256x768xf32>
    %add3A_299 = arith.addf %add3A_240, %dot_general3A_298 : vector<256x768xf32>
    %get3A_300 = arith.constant 5 : index
    %get3A_301 = arith.constant 0 : index
    %get3A_302 = arith.constant 0 : index
    %get3A_303 = vector.load %arg3[%get3A_300, %get3A_301, %get3A_302] : memref<12x768x64xbf16, #tpu.memory_space<vmem>>, vector<1x768x64xbf16>
    %get3A_304 = vector.shape_cast %get3A_303 : vector<1x768x64xbf16> to vector<768x64xbf16>
    %dot_general3A_305 = arith.constant dense<0.000000e+00> : vector<256x64xf32>
    %dot_general3A_306 = tpu.matmul %convert_element_type3A, %get3A_304, %dot_general3A_305 {dimension_numbers = #tpu.dot_dimension_numbers<[1], [0], [0], [1], [0, 0, 1, 1], [], []>, transpose_lhs_hint = false} : vector<256x768xbf16>, vector<768x64xbf16>, vector<256x64xf32> -> vector<256x64xf32>
    %get3A_307 = arith.constant 5 : index
    %get3A_308 = arith.constant 0 : index
    %get3A_309 = arith.constant 0 : index
    %get3A_310 = vector.load %arg4[%get3A_307, %get3A_308, %get3A_309] : memref<12x768x64xbf16, #tpu.memory_space<vmem>>, vector<1x768x64xbf16>
    %get3A_311 = vector.shape_cast %get3A_310 : vector<1x768x64xbf16> to vector<768x64xbf16>
    %dot_general3A_312 = arith.constant dense<0.000000e+00> : vector<256x64xf32>
    %dot_general3A_313 = tpu.matmul %convert_element_type3A, %get3A_311, %dot_general3A_312 {dimension_numbers = #tpu.dot_dimension_numbers<[1], [0], [0], [1], [0, 0, 1, 1], [], []>, transpose_lhs_hint = false} : vector<256x768xbf16>, vector<768x64xbf16>, vector<256x64xf32> -> vector<256x64xf32>
    %mul3A_314 = arith.mulf %dot_general3A_306, %get3A_4 : vector<256x64xf32>
    %mul3A_315 = arith.mulf %dot_general3A_313, %get3A_7 : vector<256x64xf32>
    %add3A_316 = arith.addf %mul3A_314, %mul3A_315 : vector<256x64xf32>
    %mul3A_317 = arith.constant 1.250000e-01 : f32
    %mul3A_318 = vector.broadcast %mul3A_317 : f32 to vector<256x64xf32>
    %mul3A_319 = arith.mulf %add3A_316, %mul3A_318 : vector<256x64xf32>
    %convert_element_type3A_320 = arith.truncf %mul3A_319 : vector<256x64xf32> to vector<256x64xbf16>
    %get3A_321 = arith.constant 1 : index
    %get3A_322 = arith.constant 0 : index
    %get3A_323 = arith.constant 0 : index
    %get3A_324 = vector.load %arg7[%get3A_321, %get3A_322, %get3A_323] : memref<4x2048x64xbf16, #tpu.memory_space<vmem>>, vector<1x2048x64xbf16>
    %get3A_325 = vector.shape_cast %get3A_324 : vector<1x2048x64xbf16> to vector<2048x64xbf16>
    %dot_general3A_326 = arith.constant dense<0.000000e+00> : vector<256x2048xf32>
    %dot_general3A_327 = tpu.matmul %convert_element_type3A_320, %get3A_325, %dot_general3A_326 {dimension_numbers = #tpu.dot_dimension_numbers<[1], [1], [0], [0], [0, 0, 1, 0], [], []>, transpose_lhs_hint = false} : vector<256x64xbf16>, vector<2048x64xbf16>, vector<256x2048xf32> -> vector<256x2048xf32>
    %jit3A_328 = arith.constant -1.000000e+30 : f32
    %broadcast_in_dim3A_329 = vector.broadcast %jit3A_328 : f32 to vector<256x2048xf32>
    %select_n3A_330 = arith.select %le3A, %dot_general3A_327, %broadcast_in_dim3A_329 : vector<256x2048xi1>, vector<256x2048xf32>
    %reduce_max3A_331 = arith.constant dense<0xFF800000> : vector<256xf32>
    %reduce_max3A_332 = vector.multi_reduction <maximumf>, %select_n3A_330, %reduce_max3A_331 [1] : vector<256x2048xf32> to vector<256xf32>
    %broadcast_in_dim3A_333 = vector.shape_cast %reduce_max3A_332 : vector<256xf32> to vector<256x1xf32>
    %sub3A_334 = vector.broadcast %broadcast_in_dim3A_333 : vector<256x1xf32> to vector<256x2048xf32>
    %sub3A_335 = arith.subf %select_n3A_330, %sub3A_334 : vector<256x2048xf32>
    %exp3A_336 = math.exp %sub3A_335 : vector<256x2048xf32>
    %reduce_sum3A_337 = arith.constant dense<0.000000e+00> : vector<256xf32>
    %reduce_sum3A_338 = vector.multi_reduction <add>, %exp3A_336, %reduce_sum3A_337 [1] : vector<256x2048xf32> to vector<256xf32>
    %broadcast_in_dim3A_339 = vector.shape_cast %reduce_sum3A_338 : vector<256xf32> to vector<256x1xf32>
    %div3A_340 = vector.broadcast %broadcast_in_dim3A_339 : vector<256x1xf32> to vector<256x2048xf32>
    %div3A_341 = arith.divf %exp3A_336, %div3A_340 : vector<256x2048xf32>
    %convert_element_type3A_342 = arith.truncf %div3A_341 : vector<256x2048xf32> to vector<256x2048xbf16>
    %get3A_343 = arith.constant 1 : index
    %get3A_344 = arith.constant 0 : index
    %get3A_345 = arith.constant 0 : index
    %get3A_346 = vector.load %arg8[%get3A_343, %get3A_344, %get3A_345] : memref<4x2048x64xbf16, #tpu.memory_space<vmem>>, vector<1x2048x64xbf16>
    %get3A_347 = vector.shape_cast %get3A_346 : vector<1x2048x64xbf16> to vector<2048x64xbf16>
    %dot_general3A_348 = arith.constant dense<0.000000e+00> : vector<256x64xf32>
    %dot_general3A_349 = tpu.matmul %convert_element_type3A_342, %get3A_347, %dot_general3A_348 {dimension_numbers = #tpu.dot_dimension_numbers<[1], [0], [0], [1], [0, 0, 1, 1], [], []>, transpose_lhs_hint = false} : vector<256x2048xbf16>, vector<2048x64xbf16>, vector<256x64xf32> -> vector<256x64xf32>
    %convert_element_type3A_350 = arith.truncf %dot_general3A_349 : vector<256x64xf32> to vector<256x64xbf16>
    %get3A_351 = arith.constant 5 : index
    %get3A_352 = arith.constant 0 : index
    %get3A_353 = arith.constant 0 : index
    %get3A_354 = vector.load %arg9[%get3A_351, %get3A_352, %get3A_353] : memref<12x64x768xbf16, #tpu.memory_space<vmem>>, vector<1x64x768xbf16>
    %get3A_355 = vector.shape_cast %get3A_354 : vector<1x64x768xbf16> to vector<64x768xbf16>
    %dot_general3A_356 = arith.constant dense<0.000000e+00> : vector<256x768xf32>
    %dot_general3A_357 = tpu.matmul %convert_element_type3A_350, %get3A_355, %dot_general3A_356 {dimension_numbers = #tpu.dot_dimension_numbers<[1], [0], [0], [1], [0, 0, 1, 1], [], []>, transpose_lhs_hint = false} : vector<256x64xbf16>, vector<64x768xbf16>, vector<256x768xf32> -> vector<256x768xf32>
    %add3A_358 = arith.addf %add3A_299, %dot_general3A_357 : vector<256x768xf32>
    %get3A_359 = arith.constant 6 : index
    %get3A_360 = arith.constant 0 : index
    %get3A_361 = arith.constant 0 : index
    %get3A_362 = vector.load %arg3[%get3A_359, %get3A_360, %get3A_361] : memref<12x768x64xbf16, #tpu.memory_space<vmem>>, vector<1x768x64xbf16>
    %get3A_363 = vector.shape_cast %get3A_362 : vector<1x768x64xbf16> to vector<768x64xbf16>
    %dot_general3A_364 = arith.constant dense<0.000000e+00> : vector<256x64xf32>
    %dot_general3A_365 = tpu.matmul %convert_element_type3A, %get3A_363, %dot_general3A_364 {dimension_numbers = #tpu.dot_dimension_numbers<[1], [0], [0], [1], [0, 0, 1, 1], [], []>, transpose_lhs_hint = false} : vector<256x768xbf16>, vector<768x64xbf16>, vector<256x64xf32> -> vector<256x64xf32>
    %get3A_366 = arith.constant 6 : index
    %get3A_367 = arith.constant 0 : index
    %get3A_368 = arith.constant 0 : index
    %get3A_369 = vector.load %arg4[%get3A_366, %get3A_367, %get3A_368] : memref<12x768x64xbf16, #tpu.memory_space<vmem>>, vector<1x768x64xbf16>
    %get3A_370 = vector.shape_cast %get3A_369 : vector<1x768x64xbf16> to vector<768x64xbf16>
    %dot_general3A_371 = arith.constant dense<0.000000e+00> : vector<256x64xf32>
    %dot_general3A_372 = tpu.matmul %convert_element_type3A, %get3A_370, %dot_general3A_371 {dimension_numbers = #tpu.dot_dimension_numbers<[1], [0], [0], [1], [0, 0, 1, 1], [], []>, transpose_lhs_hint = false} : vector<256x768xbf16>, vector<768x64xbf16>, vector<256x64xf32> -> vector<256x64xf32>
    %mul3A_373 = arith.mulf %dot_general3A_365, %get3A_4 : vector<256x64xf32>
    %mul3A_374 = arith.mulf %dot_general3A_372, %get3A_7 : vector<256x64xf32>
    %add3A_375 = arith.addf %mul3A_373, %mul3A_374 : vector<256x64xf32>
    %mul3A_376 = arith.constant 1.250000e-01 : f32
    %mul3A_377 = vector.broadcast %mul3A_376 : f32 to vector<256x64xf32>
    %mul3A_378 = arith.mulf %add3A_375, %mul3A_377 : vector<256x64xf32>
    %convert_element_type3A_379 = arith.truncf %mul3A_378 : vector<256x64xf32> to vector<256x64xbf16>
    %get3A_380 = arith.constant 2 : index
    %get3A_381 = arith.constant 0 : index
    %get3A_382 = arith.constant 0 : index
    %get3A_383 = vector.load %arg7[%get3A_380, %get3A_381, %get3A_382] : memref<4x2048x64xbf16, #tpu.memory_space<vmem>>, vector<1x2048x64xbf16>
    %get3A_384 = vector.shape_cast %get3A_383 : vector<1x2048x64xbf16> to vector<2048x64xbf16>
    %dot_general3A_385 = arith.constant dense<0.000000e+00> : vector<256x2048xf32>
    %dot_general3A_386 = tpu.matmul %convert_element_type3A_379, %get3A_384, %dot_general3A_385 {dimension_numbers = #tpu.dot_dimension_numbers<[1], [1], [0], [0], [0, 0, 1, 0], [], []>, transpose_lhs_hint = false} : vector<256x64xbf16>, vector<2048x64xbf16>, vector<256x2048xf32> -> vector<256x2048xf32>
    %jit3A_387 = arith.constant -1.000000e+30 : f32
    %broadcast_in_dim3A_388 = vector.broadcast %jit3A_387 : f32 to vector<256x2048xf32>
    %select_n3A_389 = arith.select %le3A, %dot_general3A_386, %broadcast_in_dim3A_388 : vector<256x2048xi1>, vector<256x2048xf32>
    %reduce_max3A_390 = arith.constant dense<0xFF800000> : vector<256xf32>
    %reduce_max3A_391 = vector.multi_reduction <maximumf>, %select_n3A_389, %reduce_max3A_390 [1] : vector<256x2048xf32> to vector<256xf32>
    %broadcast_in_dim3A_392 = vector.shape_cast %reduce_max3A_391 : vector<256xf32> to vector<256x1xf32>
    %sub3A_393 = vector.broadcast %broadcast_in_dim3A_392 : vector<256x1xf32> to vector<256x2048xf32>
    %sub3A_394 = arith.subf %select_n3A_389, %sub3A_393 : vector<256x2048xf32>
    %exp3A_395 = math.exp %sub3A_394 : vector<256x2048xf32>
    %reduce_sum3A_396 = arith.constant dense<0.000000e+00> : vector<256xf32>
    %reduce_sum3A_397 = vector.multi_reduction <add>, %exp3A_395, %reduce_sum3A_396 [1] : vector<256x2048xf32> to vector<256xf32>
    %broadcast_in_dim3A_398 = vector.shape_cast %reduce_sum3A_397 : vector<256xf32> to vector<256x1xf32>
    %div3A_399 = vector.broadcast %broadcast_in_dim3A_398 : vector<256x1xf32> to vector<256x2048xf32>
    %div3A_400 = arith.divf %exp3A_395, %div3A_399 : vector<256x2048xf32>
    %convert_element_type3A_401 = arith.truncf %div3A_400 : vector<256x2048xf32> to vector<256x2048xbf16>
    %get3A_402 = arith.constant 2 : index
    %get3A_403 = arith.constant 0 : index
    %get3A_404 = arith.constant 0 : index
    %get3A_405 = vector.load %arg8[%get3A_402, %get3A_403, %get3A_404] : memref<4x2048x64xbf16, #tpu.memory_space<vmem>>, vector<1x2048x64xbf16>
    %get3A_406 = vector.shape_cast %get3A_405 : vector<1x2048x64xbf16> to vector<2048x64xbf16>
    %dot_general3A_407 = arith.constant dense<0.000000e+00> : vector<256x64xf32>
    %dot_general3A_408 = tpu.matmul %convert_element_type3A_401, %get3A_406, %dot_general3A_407 {dimension_numbers = #tpu.dot_dimension_numbers<[1], [0], [0], [1], [0, 0, 1, 1], [], []>, transpose_lhs_hint = false} : vector<256x2048xbf16>, vector<2048x64xbf16>, vector<256x64xf32> -> vector<256x64xf32>
    %convert_element_type3A_409 = arith.truncf %dot_general3A_408 : vector<256x64xf32> to vector<256x64xbf16>
    %get3A_410 = arith.constant 6 : index
    %get3A_411 = arith.constant 0 : index
    %get3A_412 = arith.constant 0 : index
    %get3A_413 = vector.load %arg9[%get3A_410, %get3A_411, %get3A_412] : memref<12x64x768xbf16, #tpu.memory_space<vmem>>, vector<1x64x768xbf16>
    %get3A_414 = vector.shape_cast %get3A_413 : vector<1x64x768xbf16> to vector<64x768xbf16>
    %dot_general3A_415 = arith.constant dense<0.000000e+00> : vector<256x768xf32>
    %dot_general3A_416 = tpu.matmul %convert_element_type3A_409, %get3A_414, %dot_general3A_415 {dimension_numbers = #tpu.dot_dimension_numbers<[1], [0], [0], [1], [0, 0, 1, 1], [], []>, transpose_lhs_hint = false} : vector<256x64xbf16>, vector<64x768xbf16>, vector<256x768xf32> -> vector<256x768xf32>
    %add3A_417 = arith.addf %add3A_358, %dot_general3A_416 : vector<256x768xf32>
    %get3A_418 = arith.constant 7 : index
    %get3A_419 = arith.constant 0 : index
    %get3A_420 = arith.constant 0 : index
    %get3A_421 = vector.load %arg3[%get3A_418, %get3A_419, %get3A_420] : memref<12x768x64xbf16, #tpu.memory_space<vmem>>, vector<1x768x64xbf16>
    %get3A_422 = vector.shape_cast %get3A_421 : vector<1x768x64xbf16> to vector<768x64xbf16>
    %dot_general3A_423 = arith.constant dense<0.000000e+00> : vector<256x64xf32>
    %dot_general3A_424 = tpu.matmul %convert_element_type3A, %get3A_422, %dot_general3A_423 {dimension_numbers = #tpu.dot_dimension_numbers<[1], [0], [0], [1], [0, 0, 1, 1], [], []>, transpose_lhs_hint = false} : vector<256x768xbf16>, vector<768x64xbf16>, vector<256x64xf32> -> vector<256x64xf32>
    %get3A_425 = arith.constant 7 : index
    %get3A_426 = arith.constant 0 : index
    %get3A_427 = arith.constant 0 : index
    %get3A_428 = vector.load %arg4[%get3A_425, %get3A_426, %get3A_427] : memref<12x768x64xbf16, #tpu.memory_space<vmem>>, vector<1x768x64xbf16>
    %get3A_429 = vector.shape_cast %get3A_428 : vector<1x768x64xbf16> to vector<768x64xbf16>
    %dot_general3A_430 = arith.constant dense<0.000000e+00> : vector<256x64xf32>
    %dot_general3A_431 = tpu.matmul %convert_element_type3A, %get3A_429, %dot_general3A_430 {dimension_numbers = #tpu.dot_dimension_numbers<[1], [0], [0], [1], [0, 0, 1, 1], [], []>, transpose_lhs_hint = false} : vector<256x768xbf16>, vector<768x64xbf16>, vector<256x64xf32> -> vector<256x64xf32>
    %mul3A_432 = arith.mulf %dot_general3A_424, %get3A_4 : vector<256x64xf32>
    %mul3A_433 = arith.mulf %dot_general3A_431, %get3A_7 : vector<256x64xf32>
    %add3A_434 = arith.addf %mul3A_432, %mul3A_433 : vector<256x64xf32>
    %mul3A_435 = arith.constant 1.250000e-01 : f32
    %mul3A_436 = vector.broadcast %mul3A_435 : f32 to vector<256x64xf32>
    %mul3A_437 = arith.mulf %add3A_434, %mul3A_436 : vector<256x64xf32>
    %convert_element_type3A_438 = arith.truncf %mul3A_437 : vector<256x64xf32> to vector<256x64xbf16>
    %get3A_439 = arith.constant 2 : index
    %get3A_440 = arith.constant 0 : index
    %get3A_441 = arith.constant 0 : index
    %get3A_442 = vector.load %arg7[%get3A_439, %get3A_440, %get3A_441] : memref<4x2048x64xbf16, #tpu.memory_space<vmem>>, vector<1x2048x64xbf16>
    %get3A_443 = vector.shape_cast %get3A_442 : vector<1x2048x64xbf16> to vector<2048x64xbf16>
    %dot_general3A_444 = arith.constant dense<0.000000e+00> : vector<256x2048xf32>
    %dot_general3A_445 = tpu.matmul %convert_element_type3A_438, %get3A_443, %dot_general3A_444 {dimension_numbers = #tpu.dot_dimension_numbers<[1], [1], [0], [0], [0, 0, 1, 0], [], []>, transpose_lhs_hint = false} : vector<256x64xbf16>, vector<2048x64xbf16>, vector<256x2048xf32> -> vector<256x2048xf32>
    %jit3A_446 = arith.constant -1.000000e+30 : f32
    %broadcast_in_dim3A_447 = vector.broadcast %jit3A_446 : f32 to vector<256x2048xf32>
    %select_n3A_448 = arith.select %le3A, %dot_general3A_445, %broadcast_in_dim3A_447 : vector<256x2048xi1>, vector<256x2048xf32>
    %reduce_max3A_449 = arith.constant dense<0xFF800000> : vector<256xf32>
    %reduce_max3A_450 = vector.multi_reduction <maximumf>, %select_n3A_448, %reduce_max3A_449 [1] : vector<256x2048xf32> to vector<256xf32>
    %broadcast_in_dim3A_451 = vector.shape_cast %reduce_max3A_450 : vector<256xf32> to vector<256x1xf32>
    %sub3A_452 = vector.broadcast %broadcast_in_dim3A_451 : vector<256x1xf32> to vector<256x2048xf32>
    %sub3A_453 = arith.subf %select_n3A_448, %sub3A_452 : vector<256x2048xf32>
    %exp3A_454 = math.exp %sub3A_453 : vector<256x2048xf32>
    %reduce_sum3A_455 = arith.constant dense<0.000000e+00> : vector<256xf32>
    %reduce_sum3A_456 = vector.multi_reduction <add>, %exp3A_454, %reduce_sum3A_455 [1] : vector<256x2048xf32> to vector<256xf32>
    %broadcast_in_dim3A_457 = vector.shape_cast %reduce_sum3A_456 : vector<256xf32> to vector<256x1xf32>
    %div3A_458 = vector.broadcast %broadcast_in_dim3A_457 : vector<256x1xf32> to vector<256x2048xf32>
    %div3A_459 = arith.divf %exp3A_454, %div3A_458 : vector<256x2048xf32>
    %convert_element_type3A_460 = arith.truncf %div3A_459 : vector<256x2048xf32> to vector<256x2048xbf16>
    %get3A_461 = arith.constant 2 : index
    %get3A_462 = arith.constant 0 : index
    %get3A_463 = arith.constant 0 : index
    %get3A_464 = vector.load %arg8[%get3A_461, %get3A_462, %get3A_463] : memref<4x2048x64xbf16, #tpu.memory_space<vmem>>, vector<1x2048x64xbf16>
    %get3A_465 = vector.shape_cast %get3A_464 : vector<1x2048x64xbf16> to vector<2048x64xbf16>
    %dot_general3A_466 = arith.constant dense<0.000000e+00> : vector<256x64xf32>
    %dot_general3A_467 = tpu.matmul %convert_element_type3A_460, %get3A_465, %dot_general3A_466 {dimension_numbers = #tpu.dot_dimension_numbers<[1], [0], [0], [1], [0, 0, 1, 1], [], []>, transpose_lhs_hint = false} : vector<256x2048xbf16>, vector<2048x64xbf16>, vector<256x64xf32> -> vector<256x64xf32>
    %convert_element_type3A_468 = arith.truncf %dot_general3A_467 : vector<256x64xf32> to vector<256x64xbf16>
    %get3A_469 = arith.constant 7 : index
    %get3A_470 = arith.constant 0 : index
    %get3A_471 = arith.constant 0 : index
    %get3A_472 = vector.load %arg9[%get3A_469, %get3A_470, %get3A_471] : memref<12x64x768xbf16, #tpu.memory_space<vmem>>, vector<1x64x768xbf16>
    %get3A_473 = vector.shape_cast %get3A_472 : vector<1x64x768xbf16> to vector<64x768xbf16>
    %dot_general3A_474 = arith.constant dense<0.000000e+00> : vector<256x768xf32>
    %dot_general3A_475 = tpu.matmul %convert_element_type3A_468, %get3A_473, %dot_general3A_474 {dimension_numbers = #tpu.dot_dimension_numbers<[1], [0], [0], [1], [0, 0, 1, 1], [], []>, transpose_lhs_hint = false} : vector<256x64xbf16>, vector<64x768xbf16>, vector<256x768xf32> -> vector<256x768xf32>
    %add3A_476 = arith.addf %add3A_417, %dot_general3A_475 : vector<256x768xf32>
    %get3A_477 = arith.constant 8 : index
    %get3A_478 = arith.constant 0 : index
    %get3A_479 = arith.constant 0 : index
    %get3A_480 = vector.load %arg3[%get3A_477, %get3A_478, %get3A_479] : memref<12x768x64xbf16, #tpu.memory_space<vmem>>, vector<1x768x64xbf16>
    %get3A_481 = vector.shape_cast %get3A_480 : vector<1x768x64xbf16> to vector<768x64xbf16>
    %dot_general3A_482 = arith.constant dense<0.000000e+00> : vector<256x64xf32>
    %dot_general3A_483 = tpu.matmul %convert_element_type3A, %get3A_481, %dot_general3A_482 {dimension_numbers = #tpu.dot_dimension_numbers<[1], [0], [0], [1], [0, 0, 1, 1], [], []>, transpose_lhs_hint = false} : vector<256x768xbf16>, vector<768x64xbf16>, vector<256x64xf32> -> vector<256x64xf32>
    %get3A_484 = arith.constant 8 : index
    %get3A_485 = arith.constant 0 : index
    %get3A_486 = arith.constant 0 : index
    %get3A_487 = vector.load %arg4[%get3A_484, %get3A_485, %get3A_486] : memref<12x768x64xbf16, #tpu.memory_space<vmem>>, vector<1x768x64xbf16>
    %get3A_488 = vector.shape_cast %get3A_487 : vector<1x768x64xbf16> to vector<768x64xbf16>
    %dot_general3A_489 = arith.constant dense<0.000000e+00> : vector<256x64xf32>
    %dot_general3A_490 = tpu.matmul %convert_element_type3A, %get3A_488, %dot_general3A_489 {dimension_numbers = #tpu.dot_dimension_numbers<[1], [0], [0], [1], [0, 0, 1, 1], [], []>, transpose_lhs_hint = false} : vector<256x768xbf16>, vector<768x64xbf16>, vector<256x64xf32> -> vector<256x64xf32>
    %mul3A_491 = arith.mulf %dot_general3A_483, %get3A_4 : vector<256x64xf32>
    %mul3A_492 = arith.mulf %dot_general3A_490, %get3A_7 : vector<256x64xf32>
    %add3A_493 = arith.addf %mul3A_491, %mul3A_492 : vector<256x64xf32>
    %mul3A_494 = arith.constant 1.250000e-01 : f32
    %mul3A_495 = vector.broadcast %mul3A_494 : f32 to vector<256x64xf32>
    %mul3A_496 = arith.mulf %add3A_493, %mul3A_495 : vector<256x64xf32>
    %convert_element_type3A_497 = arith.truncf %mul3A_496 : vector<256x64xf32> to vector<256x64xbf16>
    %get3A_498 = arith.constant 2 : index
    %get3A_499 = arith.constant 0 : index
    %get3A_500 = arith.constant 0 : index
    %get3A_501 = vector.load %arg7[%get3A_498, %get3A_499, %get3A_500] : memref<4x2048x64xbf16, #tpu.memory_space<vmem>>, vector<1x2048x64xbf16>
    %get3A_502 = vector.shape_cast %get3A_501 : vector<1x2048x64xbf16> to vector<2048x64xbf16>
    %dot_general3A_503 = arith.constant dense<0.000000e+00> : vector<256x2048xf32>
    %dot_general3A_504 = tpu.matmul %convert_element_type3A_497, %get3A_502, %dot_general3A_503 {dimension_numbers = #tpu.dot_dimension_numbers<[1], [1], [0], [0], [0, 0, 1, 0], [], []>, transpose_lhs_hint = false} : vector<256x64xbf16>, vector<2048x64xbf16>, vector<256x2048xf32> -> vector<256x2048xf32>
    %jit3A_505 = arith.constant -1.000000e+30 : f32
    %broadcast_in_dim3A_506 = vector.broadcast %jit3A_505 : f32 to vector<256x2048xf32>
    %select_n3A_507 = arith.select %le3A, %dot_general3A_504, %broadcast_in_dim3A_506 : vector<256x2048xi1>, vector<256x2048xf32>
    %reduce_max3A_508 = arith.constant dense<0xFF800000> : vector<256xf32>
    %reduce_max3A_509 = vector.multi_reduction <maximumf>, %select_n3A_507, %reduce_max3A_508 [1] : vector<256x2048xf32> to vector<256xf32>
    %broadcast_in_dim3A_510 = vector.shape_cast %reduce_max3A_509 : vector<256xf32> to vector<256x1xf32>
    %sub3A_511 = vector.broadcast %broadcast_in_dim3A_510 : vector<256x1xf32> to vector<256x2048xf32>
    %sub3A_512 = arith.subf %select_n3A_507, %sub3A_511 : vector<256x2048xf32>
    %exp3A_513 = math.exp %sub3A_512 : vector<256x2048xf32>
    %reduce_sum3A_514 = arith.constant dense<0.000000e+00> : vector<256xf32>
    %reduce_sum3A_515 = vector.multi_reduction <add>, %exp3A_513, %reduce_sum3A_514 [1] : vector<256x2048xf32> to vector<256xf32>
    %broadcast_in_dim3A_516 = vector.shape_cast %reduce_sum3A_515 : vector<256xf32> to vector<256x1xf32>
    %div3A_517 = vector.broadcast %broadcast_in_dim3A_516 : vector<256x1xf32> to vector<256x2048xf32>
    %div3A_518 = arith.divf %exp3A_513, %div3A_517 : vector<256x2048xf32>
    %convert_element_type3A_519 = arith.truncf %div3A_518 : vector<256x2048xf32> to vector<256x2048xbf16>
    %get3A_520 = arith.constant 2 : index
    %get3A_521 = arith.constant 0 : index
    %get3A_522 = arith.constant 0 : index
    %get3A_523 = vector.load %arg8[%get3A_520, %get3A_521, %get3A_522] : memref<4x2048x64xbf16, #tpu.memory_space<vmem>>, vector<1x2048x64xbf16>
    %get3A_524 = vector.shape_cast %get3A_523 : vector<1x2048x64xbf16> to vector<2048x64xbf16>
    %dot_general3A_525 = arith.constant dense<0.000000e+00> : vector<256x64xf32>
    %dot_general3A_526 = tpu.matmul %convert_element_type3A_519, %get3A_524, %dot_general3A_525 {dimension_numbers = #tpu.dot_dimension_numbers<[1], [0], [0], [1], [0, 0, 1, 1], [], []>, transpose_lhs_hint = false} : vector<256x2048xbf16>, vector<2048x64xbf16>, vector<256x64xf32> -> vector<256x64xf32>
    %convert_element_type3A_527 = arith.truncf %dot_general3A_526 : vector<256x64xf32> to vector<256x64xbf16>
    %get3A_528 = arith.constant 8 : index
    %get3A_529 = arith.constant 0 : index
    %get3A_530 = arith.constant 0 : index
    %get3A_531 = vector.load %arg9[%get3A_528, %get3A_529, %get3A_530] : memref<12x64x768xbf16, #tpu.memory_space<vmem>>, vector<1x64x768xbf16>
    %get3A_532 = vector.shape_cast %get3A_531 : vector<1x64x768xbf16> to vector<64x768xbf16>
    %dot_general3A_533 = arith.constant dense<0.000000e+00> : vector<256x768xf32>
    %dot_general3A_534 = tpu.matmul %convert_element_type3A_527, %get3A_532, %dot_general3A_533 {dimension_numbers = #tpu.dot_dimension_numbers<[1], [0], [0], [1], [0, 0, 1, 1], [], []>, transpose_lhs_hint = false} : vector<256x64xbf16>, vector<64x768xbf16>, vector<256x768xf32> -> vector<256x768xf32>
    %add3A_535 = arith.addf %add3A_476, %dot_general3A_534 : vector<256x768xf32>
    %get3A_536 = arith.constant 9 : index
    %get3A_537 = arith.constant 0 : index
    %get3A_538 = arith.constant 0 : index
    %get3A_539 = vector.load %arg3[%get3A_536, %get3A_537, %get3A_538] : memref<12x768x64xbf16, #tpu.memory_space<vmem>>, vector<1x768x64xbf16>
    %get3A_540 = vector.shape_cast %get3A_539 : vector<1x768x64xbf16> to vector<768x64xbf16>
    %dot_general3A_541 = arith.constant dense<0.000000e+00> : vector<256x64xf32>
    %dot_general3A_542 = tpu.matmul %convert_element_type3A, %get3A_540, %dot_general3A_541 {dimension_numbers = #tpu.dot_dimension_numbers<[1], [0], [0], [1], [0, 0, 1, 1], [], []>, transpose_lhs_hint = false} : vector<256x768xbf16>, vector<768x64xbf16>, vector<256x64xf32> -> vector<256x64xf32>
    %get3A_543 = arith.constant 9 : index
    %get3A_544 = arith.constant 0 : index
    %get3A_545 = arith.constant 0 : index
    %get3A_546 = vector.load %arg4[%get3A_543, %get3A_544, %get3A_545] : memref<12x768x64xbf16, #tpu.memory_space<vmem>>, vector<1x768x64xbf16>
    %get3A_547 = vector.shape_cast %get3A_546 : vector<1x768x64xbf16> to vector<768x64xbf16>
    %dot_general3A_548 = arith.constant dense<0.000000e+00> : vector<256x64xf32>
    %dot_general3A_549 = tpu.matmul %convert_element_type3A, %get3A_547, %dot_general3A_548 {dimension_numbers = #tpu.dot_dimension_numbers<[1], [0], [0], [1], [0, 0, 1, 1], [], []>, transpose_lhs_hint = false} : vector<256x768xbf16>, vector<768x64xbf16>, vector<256x64xf32> -> vector<256x64xf32>
    %mul3A_550 = arith.mulf %dot_general3A_542, %get3A_4 : vector<256x64xf32>
    %mul3A_551 = arith.mulf %dot_general3A_549, %get3A_7 : vector<256x64xf32>
    %add3A_552 = arith.addf %mul3A_550, %mul3A_551 : vector<256x64xf32>
    %mul3A_553 = arith.constant 1.250000e-01 : f32
    %mul3A_554 = vector.broadcast %mul3A_553 : f32 to vector<256x64xf32>
    %mul3A_555 = arith.mulf %add3A_552, %mul3A_554 : vector<256x64xf32>
    %convert_element_type3A_556 = arith.truncf %mul3A_555 : vector<256x64xf32> to vector<256x64xbf16>
    %get3A_557 = arith.constant 3 : index
    %get3A_558 = arith.constant 0 : index
    %get3A_559 = arith.constant 0 : index
    %get3A_560 = vector.load %arg7[%get3A_557, %get3A_558, %get3A_559] : memref<4x2048x64xbf16, #tpu.memory_space<vmem>>, vector<1x2048x64xbf16>
    %get3A_561 = vector.shape_cast %get3A_560 : vector<1x2048x64xbf16> to vector<2048x64xbf16>
    %dot_general3A_562 = arith.constant dense<0.000000e+00> : vector<256x2048xf32>
    %dot_general3A_563 = tpu.matmul %convert_element_type3A_556, %get3A_561, %dot_general3A_562 {dimension_numbers = #tpu.dot_dimension_numbers<[1], [1], [0], [0], [0, 0, 1, 0], [], []>, transpose_lhs_hint = false} : vector<256x64xbf16>, vector<2048x64xbf16>, vector<256x2048xf32> -> vector<256x2048xf32>
    %jit3A_564 = arith.constant -1.000000e+30 : f32
    %broadcast_in_dim3A_565 = vector.broadcast %jit3A_564 : f32 to vector<256x2048xf32>
    %select_n3A_566 = arith.select %le3A, %dot_general3A_563, %broadcast_in_dim3A_565 : vector<256x2048xi1>, vector<256x2048xf32>
    %reduce_max3A_567 = arith.constant dense<0xFF800000> : vector<256xf32>
    %reduce_max3A_568 = vector.multi_reduction <maximumf>, %select_n3A_566, %reduce_max3A_567 [1] : vector<256x2048xf32> to vector<256xf32>
    %broadcast_in_dim3A_569 = vector.shape_cast %reduce_max3A_568 : vector<256xf32> to vector<256x1xf32>
    %sub3A_570 = vector.broadcast %broadcast_in_dim3A_569 : vector<256x1xf32> to vector<256x2048xf32>
    %sub3A_571 = arith.subf %select_n3A_566, %sub3A_570 : vector<256x2048xf32>
    %exp3A_572 = math.exp %sub3A_571 : vector<256x2048xf32>
    %reduce_sum3A_573 = arith.constant dense<0.000000e+00> : vector<256xf32>
    %reduce_sum3A_574 = vector.multi_reduction <add>, %exp3A_572, %reduce_sum3A_573 [1] : vector<256x2048xf32> to vector<256xf32>
    %broadcast_in_dim3A_575 = vector.shape_cast %reduce_sum3A_574 : vector<256xf32> to vector<256x1xf32>
    %div3A_576 = vector.broadcast %broadcast_in_dim3A_575 : vector<256x1xf32> to vector<256x2048xf32>
    %div3A_577 = arith.divf %exp3A_572, %div3A_576 : vector<256x2048xf32>
    %convert_element_type3A_578 = arith.truncf %div3A_577 : vector<256x2048xf32> to vector<256x2048xbf16>
    %get3A_579 = arith.constant 3 : index
    %get3A_580 = arith.constant 0 : index
    %get3A_581 = arith.constant 0 : index
    %get3A_582 = vector.load %arg8[%get3A_579, %get3A_580, %get3A_581] : memref<4x2048x64xbf16, #tpu.memory_space<vmem>>, vector<1x2048x64xbf16>
    %get3A_583 = vector.shape_cast %get3A_582 : vector<1x2048x64xbf16> to vector<2048x64xbf16>
    %dot_general3A_584 = arith.constant dense<0.000000e+00> : vector<256x64xf32>
    %dot_general3A_585 = tpu.matmul %convert_element_type3A_578, %get3A_583, %dot_general3A_584 {dimension_numbers = #tpu.dot_dimension_numbers<[1], [0], [0], [1], [0, 0, 1, 1], [], []>, transpose_lhs_hint = false} : vector<256x2048xbf16>, vector<2048x64xbf16>, vector<256x64xf32> -> vector<256x64xf32>
    %convert_element_type3A_586 = arith.truncf %dot_general3A_585 : vector<256x64xf32> to vector<256x64xbf16>
    %get3A_587 = arith.constant 9 : index
    %get3A_588 = arith.constant 0 : index
    %get3A_589 = arith.constant 0 : index
    %get3A_590 = vector.load %arg9[%get3A_587, %get3A_588, %get3A_589] : memref<12x64x768xbf16, #tpu.memory_space<vmem>>, vector<1x64x768xbf16>
    %get3A_591 = vector.shape_cast %get3A_590 : vector<1x64x768xbf16> to vector<64x768xbf16>
    %dot_general3A_592 = arith.constant dense<0.000000e+00> : vector<256x768xf32>
    %dot_general3A_593 = tpu.matmul %convert_element_type3A_586, %get3A_591, %dot_general3A_592 {dimension_numbers = #tpu.dot_dimension_numbers<[1], [0], [0], [1], [0, 0, 1, 1], [], []>, transpose_lhs_hint = false} : vector<256x64xbf16>, vector<64x768xbf16>, vector<256x768xf32> -> vector<256x768xf32>
    %add3A_594 = arith.addf %add3A_535, %dot_general3A_593 : vector<256x768xf32>
    %get3A_595 = arith.constant 10 : index
    %get3A_596 = arith.constant 0 : index
    %get3A_597 = arith.constant 0 : index
    %get3A_598 = vector.load %arg3[%get3A_595, %get3A_596, %get3A_597] : memref<12x768x64xbf16, #tpu.memory_space<vmem>>, vector<1x768x64xbf16>
    %get3A_599 = vector.shape_cast %get3A_598 : vector<1x768x64xbf16> to vector<768x64xbf16>
    %dot_general3A_600 = arith.constant dense<0.000000e+00> : vector<256x64xf32>
    %dot_general3A_601 = tpu.matmul %convert_element_type3A, %get3A_599, %dot_general3A_600 {dimension_numbers = #tpu.dot_dimension_numbers<[1], [0], [0], [1], [0, 0, 1, 1], [], []>, transpose_lhs_hint = false} : vector<256x768xbf16>, vector<768x64xbf16>, vector<256x64xf32> -> vector<256x64xf32>
    %get3A_602 = arith.constant 10 : index
    %get3A_603 = arith.constant 0 : index
    %get3A_604 = arith.constant 0 : index
    %get3A_605 = vector.load %arg4[%get3A_602, %get3A_603, %get3A_604] : memref<12x768x64xbf16, #tpu.memory_space<vmem>>, vector<1x768x64xbf16>
    %get3A_606 = vector.shape_cast %get3A_605 : vector<1x768x64xbf16> to vector<768x64xbf16>
    %dot_general3A_607 = arith.constant dense<0.000000e+00> : vector<256x64xf32>
    %dot_general3A_608 = tpu.matmul %convert_element_type3A, %get3A_606, %dot_general3A_607 {dimension_numbers = #tpu.dot_dimension_numbers<[1], [0], [0], [1], [0, 0, 1, 1], [], []>, transpose_lhs_hint = false} : vector<256x768xbf16>, vector<768x64xbf16>, vector<256x64xf32> -> vector<256x64xf32>
    %mul3A_609 = arith.mulf %dot_general3A_601, %get3A_4 : vector<256x64xf32>
    %mul3A_610 = arith.mulf %dot_general3A_608, %get3A_7 : vector<256x64xf32>
    %add3A_611 = arith.addf %mul3A_609, %mul3A_610 : vector<256x64xf32>
    %mul3A_612 = arith.constant 1.250000e-01 : f32
    %mul3A_613 = vector.broadcast %mul3A_612 : f32 to vector<256x64xf32>
    %mul3A_614 = arith.mulf %add3A_611, %mul3A_613 : vector<256x64xf32>
    %convert_element_type3A_615 = arith.truncf %mul3A_614 : vector<256x64xf32> to vector<256x64xbf16>
    %get3A_616 = arith.constant 3 : index
    %get3A_617 = arith.constant 0 : index
    %get3A_618 = arith.constant 0 : index
    %get3A_619 = vector.load %arg7[%get3A_616, %get3A_617, %get3A_618] : memref<4x2048x64xbf16, #tpu.memory_space<vmem>>, vector<1x2048x64xbf16>
    %get3A_620 = vector.shape_cast %get3A_619 : vector<1x2048x64xbf16> to vector<2048x64xbf16>
    %dot_general3A_621 = arith.constant dense<0.000000e+00> : vector<256x2048xf32>
    %dot_general3A_622 = tpu.matmul %convert_element_type3A_615, %get3A_620, %dot_general3A_621 {dimension_numbers = #tpu.dot_dimension_numbers<[1], [1], [0], [0], [0, 0, 1, 0], [], []>, transpose_lhs_hint = false} : vector<256x64xbf16>, vector<2048x64xbf16>, vector<256x2048xf32> -> vector<256x2048xf32>
    %jit3A_623 = arith.constant -1.000000e+30 : f32
    %broadcast_in_dim3A_624 = vector.broadcast %jit3A_623 : f32 to vector<256x2048xf32>
    %select_n3A_625 = arith.select %le3A, %dot_general3A_622, %broadcast_in_dim3A_624 : vector<256x2048xi1>, vector<256x2048xf32>
    %reduce_max3A_626 = arith.constant dense<0xFF800000> : vector<256xf32>
    %reduce_max3A_627 = vector.multi_reduction <maximumf>, %select_n3A_625, %reduce_max3A_626 [1] : vector<256x2048xf32> to vector<256xf32>
    %broadcast_in_dim3A_628 = vector.shape_cast %reduce_max3A_627 : vector<256xf32> to vector<256x1xf32>
    %sub3A_629 = vector.broadcast %broadcast_in_dim3A_628 : vector<256x1xf32> to vector<256x2048xf32>
    %sub3A_630 = arith.subf %select_n3A_625, %sub3A_629 : vector<256x2048xf32>
    %exp3A_631 = math.exp %sub3A_630 : vector<256x2048xf32>
    %reduce_sum3A_632 = arith.constant dense<0.000000e+00> : vector<256xf32>
    %reduce_sum3A_633 = vector.multi_reduction <add>, %exp3A_631, %reduce_sum3A_632 [1] : vector<256x2048xf32> to vector<256xf32>
    %broadcast_in_dim3A_634 = vector.shape_cast %reduce_sum3A_633 : vector<256xf32> to vector<256x1xf32>
    %div3A_635 = vector.broadcast %broadcast_in_dim3A_634 : vector<256x1xf32> to vector<256x2048xf32>
    %div3A_636 = arith.divf %exp3A_631, %div3A_635 : vector<256x2048xf32>
    %convert_element_type3A_637 = arith.truncf %div3A_636 : vector<256x2048xf32> to vector<256x2048xbf16>
    %get3A_638 = arith.constant 3 : index
    %get3A_639 = arith.constant 0 : index
    %get3A_640 = arith.constant 0 : index
    %get3A_641 = vector.load %arg8[%get3A_638, %get3A_639, %get3A_640] : memref<4x2048x64xbf16, #tpu.memory_space<vmem>>, vector<1x2048x64xbf16>
    %get3A_642 = vector.shape_cast %get3A_641 : vector<1x2048x64xbf16> to vector<2048x64xbf16>
    %dot_general3A_643 = arith.constant dense<0.000000e+00> : vector<256x64xf32>
    %dot_general3A_644 = tpu.matmul %convert_element_type3A_637, %get3A_642, %dot_general3A_643 {dimension_numbers = #tpu.dot_dimension_numbers<[1], [0], [0], [1], [0, 0, 1, 1], [], []>, transpose_lhs_hint = false} : vector<256x2048xbf16>, vector<2048x64xbf16>, vector<256x64xf32> -> vector<256x64xf32>
    %convert_element_type3A_645 = arith.truncf %dot_general3A_644 : vector<256x64xf32> to vector<256x64xbf16>
    %get3A_646 = arith.constant 10 : index
    %get3A_647 = arith.constant 0 : index
    %get3A_648 = arith.constant 0 : index
    %get3A_649 = vector.load %arg9[%get3A_646, %get3A_647, %get3A_648] : memref<12x64x768xbf16, #tpu.memory_space<vmem>>, vector<1x64x768xbf16>
    %get3A_650 = vector.shape_cast %get3A_649 : vector<1x64x768xbf16> to vector<64x768xbf16>
    %dot_general3A_651 = arith.constant dense<0.000000e+00> : vector<256x768xf32>
    %dot_general3A_652 = tpu.matmul %convert_element_type3A_645, %get3A_650, %dot_general3A_651 {dimension_numbers = #tpu.dot_dimension_numbers<[1], [0], [0], [1], [0, 0, 1, 1], [], []>, transpose_lhs_hint = false} : vector<256x64xbf16>, vector<64x768xbf16>, vector<256x768xf32> -> vector<256x768xf32>
    %add3A_653 = arith.addf %add3A_594, %dot_general3A_652 : vector<256x768xf32>
    %get3A_654 = arith.constant 11 : index
    %get3A_655 = arith.constant 0 : index
    %get3A_656 = arith.constant 0 : index
    %get3A_657 = vector.load %arg3[%get3A_654, %get3A_655, %get3A_656] : memref<12x768x64xbf16, #tpu.memory_space<vmem>>, vector<1x768x64xbf16>
    %get3A_658 = vector.shape_cast %get3A_657 : vector<1x768x64xbf16> to vector<768x64xbf16>
    %dot_general3A_659 = arith.constant dense<0.000000e+00> : vector<256x64xf32>
    %dot_general3A_660 = tpu.matmul %convert_element_type3A, %get3A_658, %dot_general3A_659 {dimension_numbers = #tpu.dot_dimension_numbers<[1], [0], [0], [1], [0, 0, 1, 1], [], []>, transpose_lhs_hint = false} : vector<256x768xbf16>, vector<768x64xbf16>, vector<256x64xf32> -> vector<256x64xf32>
    %get3A_661 = arith.constant 11 : index
    %get3A_662 = arith.constant 0 : index
    %get3A_663 = arith.constant 0 : index
    %get3A_664 = vector.load %arg4[%get3A_661, %get3A_662, %get3A_663] : memref<12x768x64xbf16, #tpu.memory_space<vmem>>, vector<1x768x64xbf16>
    %get3A_665 = vector.shape_cast %get3A_664 : vector<1x768x64xbf16> to vector<768x64xbf16>
    %dot_general3A_666 = arith.constant dense<0.000000e+00> : vector<256x64xf32>
    %dot_general3A_667 = tpu.matmul %convert_element_type3A, %get3A_665, %dot_general3A_666 {dimension_numbers = #tpu.dot_dimension_numbers<[1], [0], [0], [1], [0, 0, 1, 1], [], []>, transpose_lhs_hint = false} : vector<256x768xbf16>, vector<768x64xbf16>, vector<256x64xf32> -> vector<256x64xf32>
    %mul3A_668 = arith.mulf %dot_general3A_660, %get3A_4 : vector<256x64xf32>
    %mul3A_669 = arith.mulf %dot_general3A_667, %get3A_7 : vector<256x64xf32>
    %add3A_670 = arith.addf %mul3A_668, %mul3A_669 : vector<256x64xf32>
    %mul3A_671 = arith.constant 1.250000e-01 : f32
    %mul3A_672 = vector.broadcast %mul3A_671 : f32 to vector<256x64xf32>
    %mul3A_673 = arith.mulf %add3A_670, %mul3A_672 : vector<256x64xf32>
    %convert_element_type3A_674 = arith.truncf %mul3A_673 : vector<256x64xf32> to vector<256x64xbf16>
    %get3A_675 = arith.constant 3 : index
    %get3A_676 = arith.constant 0 : index
    %get3A_677 = arith.constant 0 : index
    %get3A_678 = vector.load %arg7[%get3A_675, %get3A_676, %get3A_677] : memref<4x2048x64xbf16, #tpu.memory_space<vmem>>, vector<1x2048x64xbf16>
    %get3A_679 = vector.shape_cast %get3A_678 : vector<1x2048x64xbf16> to vector<2048x64xbf16>
    %dot_general3A_680 = arith.constant dense<0.000000e+00> : vector<256x2048xf32>
    %dot_general3A_681 = tpu.matmul %convert_element_type3A_674, %get3A_679, %dot_general3A_680 {dimension_numbers = #tpu.dot_dimension_numbers<[1], [1], [0], [0], [0, 0, 1, 0], [], []>, transpose_lhs_hint = false} : vector<256x64xbf16>, vector<2048x64xbf16>, vector<256x2048xf32> -> vector<256x2048xf32>
    %jit3A_682 = arith.constant -1.000000e+30 : f32
    %broadcast_in_dim3A_683 = vector.broadcast %jit3A_682 : f32 to vector<256x2048xf32>
    %select_n3A_684 = arith.select %le3A, %dot_general3A_681, %broadcast_in_dim3A_683 : vector<256x2048xi1>, vector<256x2048xf32>
    %reduce_max3A_685 = arith.constant dense<0xFF800000> : vector<256xf32>
    %reduce_max3A_686 = vector.multi_reduction <maximumf>, %select_n3A_684, %reduce_max3A_685 [1] : vector<256x2048xf32> to vector<256xf32>
    %broadcast_in_dim3A_687 = vector.shape_cast %reduce_max3A_686 : vector<256xf32> to vector<256x1xf32>
    %sub3A_688 = vector.broadcast %broadcast_in_dim3A_687 : vector<256x1xf32> to vector<256x2048xf32>
    %sub3A_689 = arith.subf %select_n3A_684, %sub3A_688 : vector<256x2048xf32>
    %exp3A_690 = math.exp %sub3A_689 : vector<256x2048xf32>
    %reduce_sum3A_691 = arith.constant dense<0.000000e+00> : vector<256xf32>
    %reduce_sum3A_692 = vector.multi_reduction <add>, %exp3A_690, %reduce_sum3A_691 [1] : vector<256x2048xf32> to vector<256xf32>
    %broadcast_in_dim3A_693 = vector.shape_cast %reduce_sum3A_692 : vector<256xf32> to vector<256x1xf32>
    %div3A_694 = vector.broadcast %broadcast_in_dim3A_693 : vector<256x1xf32> to vector<256x2048xf32>
    %div3A_695 = arith.divf %exp3A_690, %div3A_694 : vector<256x2048xf32>
    %convert_element_type3A_696 = arith.truncf %div3A_695 : vector<256x2048xf32> to vector<256x2048xbf16>
    %get3A_697 = arith.constant 3 : index
    %get3A_698 = arith.constant 0 : index
    %get3A_699 = arith.constant 0 : index
    %get3A_700 = vector.load %arg8[%get3A_697, %get3A_698, %get3A_699] : memref<4x2048x64xbf16, #tpu.memory_space<vmem>>, vector<1x2048x64xbf16>
    %get3A_701 = vector.shape_cast %get3A_700 : vector<1x2048x64xbf16> to vector<2048x64xbf16>
    %dot_general3A_702 = arith.constant dense<0.000000e+00> : vector<256x64xf32>
    %dot_general3A_703 = tpu.matmul %convert_element_type3A_696, %get3A_701, %dot_general3A_702 {dimension_numbers = #tpu.dot_dimension_numbers<[1], [0], [0], [1], [0, 0, 1, 1], [], []>, transpose_lhs_hint = false} : vector<256x2048xbf16>, vector<2048x64xbf16>, vector<256x64xf32> -> vector<256x64xf32>
    %convert_element_type3A_704 = arith.truncf %dot_general3A_703 : vector<256x64xf32> to vector<256x64xbf16>
    %get3A_705 = arith.constant 11 : index
    %get3A_706 = arith.constant 0 : index
    %get3A_707 = arith.constant 0 : index
    %get3A_708 = vector.load %arg9[%get3A_705, %get3A_706, %get3A_707] : memref<12x64x768xbf16, #tpu.memory_space<vmem>>, vector<1x64x768xbf16>
    %get3A_709 = vector.shape_cast %get3A_708 : vector<1x64x768xbf16> to vector<64x768xbf16>
    %dot_general3A_710 = arith.constant dense<0.000000e+00> : vector<256x768xf32>
    %dot_general3A_711 = tpu.matmul %convert_element_type3A_704, %get3A_709, %dot_general3A_710 {dimension_numbers = #tpu.dot_dimension_numbers<[1], [0], [0], [1], [0, 0, 1, 1], [], []>, transpose_lhs_hint = false} : vector<256x64xbf16>, vector<64x768xbf16>, vector<256x768xf32> -> vector<256x768xf32>
    %add3A_712 = arith.addf %add3A_653, %dot_general3A_711 : vector<256x768xf32>
    %swap3A = arith.constant 0 : index
    %swap3A_713 = arith.constant 0 : index
    %swap3A_714 = vector.load %arg10[%swap3A, %swap3A_713] : memref<256x768xf32, #tpu.memory_space<vmem>>, vector<256x768xf32>
    tpu.vector_store %arg10[%swap3A, %swap3A_713], %add3A_712 {strides = array<i32>} : memref<256x768xf32, #tpu.memory_space<vmem>>, vector<256x768xf32>,
    return
  }
  func.func @transform_0(%arg0: i32) -> (i32, i32) {
    %c0_i32 = arith.constant 0 : i32
    %c0_i32_0 = arith.constant 0 : i32
    return %arg0, %c0_i32 : i32, i32
  }
  func.func @transform_1(%arg0: i32) -> (i32, i32) {
    %c0_i32 = arith.constant 0 : i32
    %c0_i32_0 = arith.constant 0 : i32
    return %arg0, %c0_i32 : i32, i32
  }
  func.func @transform_2(%arg0: i32) -> (i32, i32, i32) {
    %c0_i32 = arith.constant 0 : i32
    %c0_i32_0 = arith.constant 0 : i32
    %c0_i32_1 = arith.constant 0 : i32
    %c0_i32_2 = arith.constant 0 : i32
    return %c0_i32, %c0_i32_0, %c0_i32_1 : i32, i32, i32
  }
  func.func @transform_3(%arg0: i32) -> (i32, i32, i32) {
    %c0_i32 = arith.constant 0 : i32
    %c0_i32_0 = arith.constant 0 : i32
    %c0_i32_1 = arith.constant 0 : i32
    %c0_i32_2 = arith.constant 0 : i32
    return %c0_i32, %c0_i32_0, %c0_i32_1 : i32, i32, i32
  }
  func.func @transform_4(%arg0: i32) -> (i32, i32) {
    %c0_i32 = arith.constant 0 : i32
    %c0_i32_0 = arith.constant 0 : i32
    return %arg0, %c0_i32 : i32, i32
  }
  func.func @transform_5(%arg0: i32) -> (i32, i32) {
    %c0_i32 = arith.constant 0 : i32
    %c0_i32_0 = arith.constant 0 : i32
    return %arg0, %c0_i32 : i32, i32
  }
  func.func @transform_6(%arg0: i32) -> (i32, i32, i32) {
    %c0_i32 = arith.constant 0 : i32
    %c0_i32_0 = arith.constant 0 : i32
    %c0_i32_1 = arith.constant 0 : i32
    %c0_i32_2 = arith.constant 0 : i32
    return %c0_i32, %c0_i32_0, %c0_i32_1 : i32, i32, i32
  }
  func.func @transform_7(%arg0: i32) -> (i32, i32, i32) {
    %c0_i32 = arith.constant 0 : i32
    %c0_i32_0 = arith.constant 0 : i32
    %c0_i32_1 = arith.constant 0 : i32
    %c0_i32_2 = arith.constant 0 : i32
    return %c0_i32, %c0_i32_0, %c0_i32_1 : i32, i32, i32
  }
  func.func @transform_8(%arg0: i32) -> (i32, i32, i32) {
    %c0_i32 = arith.constant 0 : i32
    %c0_i32_0 = arith.constant 0 : i32
    %c0_i32_1 = arith.constant 0 : i32
    %c0_i32_2 = arith.constant 0 : i32
    return %c0_i32, %c0_i32_0, %c0_i32_1 : i32, i32, i32
  }
  func.func @transform_9(%arg0: i32) -> (i32, i32) {
    %c0_i32 = arith.constant 0 : i32
    %c0_i32_0 = arith.constant 0 : i32
    return %arg0, %c0_i32 : i32, i32
  }
}

module attributes {stable_mosaic.version = 14 : i64} {
  func.func @_router_body(%arg0: i32, %arg1: memref<256x768xf32, #tpu.memory_space<vmem>>, %arg2: memref<1x768xf32, #tpu.memory_space<vmem>>, %arg3: memref<768x8xf32, #tpu.memory_space<vmem>>, %arg4: memref<256x768xf32, #tpu.memory_space<vmem>>, %arg5: memref<256x2xi32, #tpu.memory_space<vmem>>, %arg6: memref<256x2xf32, #tpu.memory_space<vmem>>) attributes {dimension_semantics = [#tpu.dimension_semantics<arbitrary>], iteration_bounds = array<i64: 8>, scalar_prefetch = 0 : i64, scratch_operands = 0 : i64, tpu.core_type = #tpu.core_type<tc>, window_params = [{transform_indices = @transform_0, window_bounds = array<i64: 256, 768>}, {pipeline_mode = #tpu.pipeline_mode<synchronous>, transform_indices = @transform_1, window_bounds = array<i64: 1, 768>}, {pipeline_mode = #tpu.pipeline_mode<synchronous>, transform_indices = @transform_2, window_bounds = array<i64: 768, 8>}, {transform_indices = @transform_3, window_bounds = array<i64: 256, 768>}, {transform_indices = @transform_4, window_bounds = array<i64: 256, 2>}, {transform_indices = @transform_5, window_bounds = array<i64: 256, 2>}]} {
    %get3A = arith.constant 0 : index
    %get3A_0 = arith.constant 0 : index
    %get3A_1 = vector.load %arg1[%get3A, %get3A_0] : memref<256x768xf32, #tpu.memory_space<vmem>>, vector<256x768xf32>
    %mul3A = arith.mulf %get3A_1, %get3A_1 : vector<256x768xf32>
    %reduce_sum3A = arith.constant dense<0.000000e+00> : vector<256xf32>
    %reduce_sum3A_2 = vector.multi_reduction <add>, %mul3A, %reduce_sum3A [1] : vector<256x768xf32> to vector<256xf32>
    %broadcast_in_dim3A = vector.shape_cast %reduce_sum3A_2 : vector<256xf32> to vector<256x1xf32>
    %div3A = arith.constant 7.680000e+02 : f32
    %div3A_3 = vector.broadcast %div3A : f32 to vector<256x1xf32>
    %div3A_4 = arith.divf %broadcast_in_dim3A, %div3A_3 : vector<256x1xf32>
    %add3A = arith.constant 9.99999997E-7 : f32
    %add3A_5 = vector.broadcast %add3A : f32 to vector<256x1xf32>
    %add3A_6 = arith.addf %div3A_4, %add3A_5 : vector<256x1xf32>
    %rsqrt3A = math.rsqrt %add3A_6 : vector<256x1xf32>
    %mul3A_7 = vector.broadcast %rsqrt3A : vector<256x1xf32> to vector<256x768xf32>
    %mul3A_8 = arith.mulf %get3A_1, %mul3A_7 : vector<256x768xf32>
    %get3A_9 = arith.constant 0 : index
    %get3A_10 = arith.constant 0 : index
    %get3A_11 = vector.load %arg2[%get3A_9, %get3A_10] : memref<1x768xf32, #tpu.memory_space<vmem>>, vector<1x768xf32>
    %mul3A_12 = vector.broadcast %get3A_11 : vector<1x768xf32> to vector<256x768xf32>
    %mul3A_13 = arith.mulf %mul3A_8, %mul3A_12 : vector<256x768xf32>
    %swap3A = arith.constant 0 : index
    %swap3A_14 = arith.constant 0 : index
    %swap3A_15 = vector.load %arg4[%swap3A, %swap3A_14] : memref<256x768xf32, #tpu.memory_space<vmem>>, vector<256x768xf32>
    tpu.vector_store %arg4[%swap3A, %swap3A_14], %mul3A_13 {strides = array<i32>} : memref<256x768xf32, #tpu.memory_space<vmem>>, vector<256x768xf32>,
    %get3A_16 = arith.constant 0 : index
    %get3A_17 = arith.constant 0 : index
    %get3A_18 = vector.load %arg3[%get3A_16, %get3A_17] : memref<768x8xf32, #tpu.memory_space<vmem>>, vector<768x8xf32>
    %dot_general3A = arith.constant dense<0.000000e+00> : vector<256x8xf32>
    %dot_general3A_19 = tpu.matmul %mul3A_13, %get3A_18, %dot_general3A {dimension_numbers = #tpu.dot_dimension_numbers<[1], [0], [0], [1], [0, 0, 1, 1], [], []>, transpose_lhs_hint = false} : vector<256x768xf32>, vector<768x8xf32>, vector<256x8xf32> -> vector<256x8xf32>
    %reduce_max3A = arith.constant dense<0xFF800000> : vector<256xf32>
    %reduce_max3A_20 = vector.multi_reduction <maximumf>, %dot_general3A_19, %reduce_max3A [1] : vector<256x8xf32> to vector<256xf32>
    %broadcast_in_dim3A_21 = vector.shape_cast %reduce_max3A_20 : vector<256xf32> to vector<256x1xf32>
    %sub3A = vector.broadcast %broadcast_in_dim3A_21 : vector<256x1xf32> to vector<256x8xf32>
    %sub3A_22 = arith.subf %dot_general3A_19, %sub3A : vector<256x8xf32>
    %exp3A = math.exp %sub3A_22 : vector<256x8xf32>
    %reduce_sum3A_23 = arith.constant dense<0.000000e+00> : vector<256xf32>
    %reduce_sum3A_24 = vector.multi_reduction <add>, %exp3A, %reduce_sum3A_23 [1] : vector<256x8xf32> to vector<256xf32>
    %broadcast_in_dim3A_25 = vector.shape_cast %reduce_sum3A_24 : vector<256xf32> to vector<256x1xf32>
    %div3A_26 = vector.broadcast %broadcast_in_dim3A_25 : vector<256x1xf32> to vector<256x8xf32>
    %div3A_27 = arith.divf %exp3A, %div3A_26 : vector<256x8xf32>
    %iota3A = tpu.iota {dimensions = array<i32: 1>} : vector<256x8xi32>
    %reduce_max3A_28 = arith.constant dense<0xFF800000> : vector<256xf32>
    %reduce_max3A_29 = vector.multi_reduction <maximumf>, %div3A_27, %reduce_max3A_28 [1] : vector<256x8xf32> to vector<256xf32>
    %broadcast_in_dim3A_30 = vector.shape_cast %reduce_max3A_29 : vector<256xf32> to vector<256x1xf32>
    %ge3A = vector.broadcast %broadcast_in_dim3A_30 : vector<256x1xf32> to vector<256x8xf32>
    %ge3A_31 = arith.cmpf oge, %div3A_27, %ge3A : vector<256x8xf32>
    %jit3A = arith.constant 8 : i32
    %broadcast_in_dim3A_32 = vector.broadcast %jit3A : i32 to vector<256x8xi32>
    %select_n3A = arith.select %ge3A_31, %iota3A, %broadcast_in_dim3A_32 : vector<256x8xi1>, vector<256x8xi32>
    %reduce_min3A = arith.constant dense<2147483647> : vector<256xi32>
    %reduce_min3A_33 = vector.multi_reduction <minsi>, %select_n3A, %reduce_min3A [1] : vector<256x8xi32> to vector<256xi32>
    %broadcast_in_dim3A_34 = vector.shape_cast %reduce_min3A_33 : vector<256xi32> to vector<256x1xi32>
    %eq3A = vector.broadcast %broadcast_in_dim3A_34 : vector<256x1xi32> to vector<256x8xi32>
    %eq3A_35 = arith.cmpi eq, %iota3A, %eq3A : vector<256x8xi32>
    %jit3A_36 = arith.constant -1.000000e+00 : f32
    %broadcast_in_dim3A_37 = vector.broadcast %jit3A_36 : f32 to vector<256x8xf32>
    %select_n3A_38 = arith.select %eq3A_35, %broadcast_in_dim3A_37, %div3A_27 : vector<256x8xi1>, vector<256x8xf32>
    %reduce_max3A_39 = arith.constant dense<0xFF800000> : vector<256xf32>
    %reduce_max3A_40 = vector.multi_reduction <maximumf>, %select_n3A_38, %reduce_max3A_39 [1] : vector<256x8xf32> to vector<256xf32>
    %broadcast_in_dim3A_41 = vector.shape_cast %reduce_max3A_40 : vector<256xf32> to vector<256x1xf32>
    %ge3A_42 = vector.broadcast %broadcast_in_dim3A_41 : vector<256x1xf32> to vector<256x8xf32>
    %ge3A_43 = arith.cmpf oge, %select_n3A_38, %ge3A_42 : vector<256x8xf32>
    %jit3A_44 = arith.constant 8 : i32
    %broadcast_in_dim3A_45 = vector.broadcast %jit3A_44 : i32 to vector<256x8xi32>
    %select_n3A_46 = arith.select %ge3A_43, %iota3A, %broadcast_in_dim3A_45 : vector<256x8xi1>, vector<256x8xi32>
    %reduce_min3A_47 = arith.constant dense<2147483647> : vector<256xi32>
    %reduce_min3A_48 = vector.multi_reduction <minsi>, %select_n3A_46, %reduce_min3A_47 [1] : vector<256x8xi32> to vector<256xi32>
    %broadcast_in_dim3A_49 = vector.shape_cast %reduce_min3A_48 : vector<256xi32> to vector<256x1xi32>
    %add3A_50 = arith.addf %broadcast_in_dim3A_30, %broadcast_in_dim3A_41 : vector<256x1xf32>
    %concatenate3A = tpu.concatenate %broadcast_in_dim3A_34, %broadcast_in_dim3A_49 in 1 : vector<256x1xi32>, vector<256x1xi32> -> vector<256x2xi32>
    %swap3A_51 = arith.constant 0 : index
    %swap3A_52 = arith.constant 0 : index
    %swap3A_53 = vector.load %arg5[%swap3A_51, %swap3A_52] : memref<256x2xi32, #tpu.memory_space<vmem>>, vector<256x2xi32>
    tpu.vector_store %arg5[%swap3A_51, %swap3A_52], %concatenate3A {strides = array<i32>} : memref<256x2xi32, #tpu.memory_space<vmem>>, vector<256x2xi32>,
    %div3A_54 = arith.divf %broadcast_in_dim3A_30, %add3A_50 : vector<256x1xf32>
    %div3A_55 = arith.divf %broadcast_in_dim3A_41, %add3A_50 : vector<256x1xf32>
    %concatenate3A_56 = tpu.concatenate %div3A_54, %div3A_55 in 1 : vector<256x1xf32>, vector<256x1xf32> -> vector<256x2xf32>
    %swap3A_57 = arith.constant 0 : index
    %swap3A_58 = arith.constant 0 : index
    %swap3A_59 = vector.load %arg6[%swap3A_57, %swap3A_58] : memref<256x2xf32, #tpu.memory_space<vmem>>, vector<256x2xf32>
    tpu.vector_store %arg6[%swap3A_57, %swap3A_58], %concatenate3A_56 {strides = array<i32>} : memref<256x2xf32, #tpu.memory_space<vmem>>, vector<256x2xf32>,
    return
  }
  func.func @transform_0(%arg0: i32) -> (i32, i32) {
    %c0_i32 = arith.constant 0 : i32
    %c0_i32_0 = arith.constant 0 : i32
    return %arg0, %c0_i32 : i32, i32
  }
  func.func @transform_1(%arg0: i32) -> (i32, i32) {
    %c0_i32 = arith.constant 0 : i32
    %c0_i32_0 = arith.constant 0 : i32
    %c0_i32_1 = arith.constant 0 : i32
    return %c0_i32, %c0_i32_0 : i32, i32
  }
  func.func @transform_2(%arg0: i32) -> (i32, i32) {
    %c0_i32 = arith.constant 0 : i32
    %c0_i32_0 = arith.constant 0 : i32
    %c0_i32_1 = arith.constant 0 : i32
    return %c0_i32, %c0_i32_0 : i32, i32
  }
  func.func @transform_3(%arg0: i32) -> (i32, i32) {
    %c0_i32 = arith.constant 0 : i32
    %c0_i32_0 = arith.constant 0 : i32
    return %arg0, %c0_i32 : i32, i32
  }
  func.func @transform_4(%arg0: i32) -> (i32, i32) {
    %c0_i32 = arith.constant 0 : i32
    %c0_i32_0 = arith.constant 0 : i32
    return %arg0, %c0_i32 : i32, i32
  }
  func.func @transform_5(%arg0: i32) -> (i32, i32) {
    %c0_i32 = arith.constant 0 : i32
    %c0_i32_0 = arith.constant 0 : i32
    return %arg0, %c0_i32 : i32, i32
  }
}

module attributes {stable_mosaic.version = 14 : i64} {
  func.func @_ffn_body(%arg0: i32, %arg1: memref<24xi32, #tpu.memory_space<smem>>, %arg2: memref<24xi32, #tpu.memory_space<smem>>, %arg3: memref<256x768xf32, #tpu.memory_space<vmem>>, %arg4: memref<1x768x1024xbf16, #tpu.memory_space<vmem>>, %arg5: memref<1x768x1024xbf16, #tpu.memory_space<vmem>>, %arg6: memref<1x1024x768xbf16, #tpu.memory_space<vmem>>, %arg7: memref<256x1xf32, #tpu.memory_space<vmem>>, %arg8: memref<256x768xf32, #tpu.memory_space<vmem>>) attributes {dimension_semantics = [#tpu.dimension_semantics<arbitrary>], iteration_bounds = array<i64: 24>, scalar_prefetch = 2 : i64, scratch_operands = 0 : i64, tpu.core_type = #tpu.core_type<tc>, window_params = [{transform_indices = @transform_0, window_bounds = array<i64: 256, 768>}, {transform_indices = @transform_1, window_bounds = array<i64: 1, 768, 1024>}, {transform_indices = @transform_2, window_bounds = array<i64: 1, 768, 1024>}, {transform_indices = @transform_3, window_bounds = array<i64: 1, 1024, 768>}, {transform_indices = @transform_4, window_bounds = array<i64: 256, 1>}, {transform_indices = @transform_5, window_bounds = array<i64: 256, 768>}]} {
    %get3A = arith.index_cast %arg0 : i32 to index
    %get3A_0 = memref.load %arg2[%get3A] : memref<24xi32, #tpu.memory_space<smem>>
    %eq3A = arith.constant 1 : i32
    %eq3A_1 = arith.cmpi eq, %get3A_0, %eq3A : i32
    %convert_element_type3A = arith.extui %eq3A_1 : i1 to i32
    %cond3A = arith.constant 0 : i32
    %cond3A_2 = arith.cmpi ne, %convert_element_type3A, %cond3A : i32
    scf.if %cond3A_2 {
      %get3A_3 = arith.constant 0 : index
      %get3A_4 = arith.constant 0 : index
      %get3A_5 = vector.load %arg3[%get3A_3, %get3A_4] : memref<256x768xf32, #tpu.memory_space<vmem>>, vector<256x768xf32>
      %convert_element_type3A_6 = arith.truncf %get3A_5 : vector<256x768xf32> to vector<256x768xbf16>
      %get3A_7 = arith.constant 0 : index
      %get3A_8 = arith.constant 0 : index
      %get3A_9 = arith.constant 0 : index
      %get3A_10 = vector.load %arg4[%get3A_7, %get3A_8, %get3A_9] : memref<1x768x1024xbf16, #tpu.memory_space<vmem>>, vector<1x768x1024xbf16>
      %get3A_11 = vector.shape_cast %get3A_10 : vector<1x768x1024xbf16> to vector<768x1024xbf16>
      %dot_general3A = arith.constant dense<0.000000e+00> : vector<256x1024xf32>
      %dot_general3A_12 = tpu.matmul %convert_element_type3A_6, %get3A_11, %dot_general3A {dimension_numbers = #tpu.dot_dimension_numbers<[1], [0], [0], [1], [0, 0, 1, 1], [], []>, transpose_lhs_hint = false} : vector<256x768xbf16>, vector<768x1024xbf16>, vector<256x1024xf32> -> vector<256x1024xf32>
      %get3A_13 = arith.constant 0 : index
      %get3A_14 = arith.constant 0 : index
      %get3A_15 = arith.constant 0 : index
      %get3A_16 = vector.load %arg5[%get3A_13, %get3A_14, %get3A_15] : memref<1x768x1024xbf16, #tpu.memory_space<vmem>>, vector<1x768x1024xbf16>
      %get3A_17 = vector.shape_cast %get3A_16 : vector<1x768x1024xbf16> to vector<768x1024xbf16>
      %dot_general3A_18 = arith.constant dense<0.000000e+00> : vector<256x1024xf32>
      %dot_general3A_19 = tpu.matmul %convert_element_type3A_6, %get3A_17, %dot_general3A_18 {dimension_numbers = #tpu.dot_dimension_numbers<[1], [0], [0], [1], [0, 0, 1, 1], [], []>, transpose_lhs_hint = false} : vector<256x768xbf16>, vector<768x1024xbf16>, vector<256x1024xf32> -> vector<256x1024xf32>
      %logistic3A = arith.negf %dot_general3A_12 : vector<256x1024xf32>
      %logistic3A_20 = math.exp %logistic3A : vector<256x1024xf32>
      %logistic3A_21 = arith.constant 1.000000e+00 : f32
      %logistic3A_22 = vector.broadcast %logistic3A_21 : f32 to vector<256x1024xf32>
      %logistic3A_23 = arith.addf %logistic3A_22, %logistic3A_20 : vector<256x1024xf32>
      %logistic3A_24 = arith.divf %logistic3A_22, %logistic3A_23 : vector<256x1024xf32>
      %mul3A = arith.mulf %dot_general3A_12, %logistic3A_24 : vector<256x1024xf32>
      %mul3A_25 = arith.mulf %mul3A, %dot_general3A_19 : vector<256x1024xf32>
      %convert_element_type3A_26 = arith.truncf %mul3A_25 : vector<256x1024xf32> to vector<256x1024xbf16>
      %get3A_27 = arith.constant 0 : index
      %get3A_28 = arith.constant 0 : index
      %get3A_29 = arith.constant 0 : index
      %get3A_30 = vector.load %arg6[%get3A_27, %get3A_28, %get3A_29] : memref<1x1024x768xbf16, #tpu.memory_space<vmem>>, vector<1x1024x768xbf16>
      %get3A_31 = vector.shape_cast %get3A_30 : vector<1x1024x768xbf16> to vector<1024x768xbf16>
      %dot_general3A_32 = arith.constant dense<0.000000e+00> : vector<256x768xf32>
      %dot_general3A_33 = tpu.matmul %convert_element_type3A_26, %get3A_31, %dot_general3A_32 {dimension_numbers = #tpu.dot_dimension_numbers<[1], [0], [0], [1], [0, 0, 1, 1], [], []>, transpose_lhs_hint = false} : vector<256x1024xbf16>, vector<1024x768xbf16>, vector<256x768xf32> -> vector<256x768xf32>
      %get3A_34 = arith.constant 0 : index
      %get3A_35 = arith.constant 0 : index
      %get3A_36 = vector.load %arg7[%get3A_34, %get3A_35] : memref<256x1xf32, #tpu.memory_space<vmem>>, vector<256x1xf32>
      %mul3A_37 = vector.broadcast %get3A_36 : vector<256x1xf32> to vector<256x768xf32>
      %mul3A_38 = arith.mulf %dot_general3A_33, %mul3A_37 : vector<256x768xf32>
      %swap3A = arith.constant 0 : index
      %swap3A_39 = arith.constant 0 : index
      %swap3A_40 = vector.load %arg8[%swap3A, %swap3A_39] : memref<256x768xf32, #tpu.memory_space<vmem>>, vector<256x768xf32>
      tpu.vector_store %arg8[%swap3A, %swap3A_39], %mul3A_38 {strides = array<i32>} : memref<256x768xf32, #tpu.memory_space<vmem>>, vector<256x768xf32>,
    } else {
    }
    return
  }
  func.func @transform_0(%arg0: i32, %arg1: memref<24xi32, #tpu.memory_space<smem>>, %arg2: memref<24xi32, #tpu.memory_space<smem>>) -> (i32, i32) {
    %c0_i32 = arith.constant 0 : i32
    %c0_i32_0 = arith.constant 0 : i32
    return %arg0, %c0_i32 : i32, i32
  }
  func.func @transform_1(%arg0: i32, %arg1: memref<24xi32, #tpu.memory_space<smem>>, %arg2: memref<24xi32, #tpu.memory_space<smem>>) -> (i32, i32, i32) {
    %get3A = arith.index_cast %arg0 : i32 to index
    %get3A_0 = memref.load %arg1[%get3A] : memref<24xi32, #tpu.memory_space<smem>>
    %c0_i32 = arith.constant 0 : i32
    %c0_i32_1 = arith.constant 0 : i32
    %c0_i32_2 = arith.constant 0 : i32
    return %get3A_0, %c0_i32, %c0_i32_1 : i32, i32, i32
  }
  func.func @transform_2(%arg0: i32, %arg1: memref<24xi32, #tpu.memory_space<smem>>, %arg2: memref<24xi32, #tpu.memory_space<smem>>) -> (i32, i32, i32) {
    %get3A = arith.index_cast %arg0 : i32 to index
    %get3A_0 = memref.load %arg1[%get3A] : memref<24xi32, #tpu.memory_space<smem>>
    %c0_i32 = arith.constant 0 : i32
    %c0_i32_1 = arith.constant 0 : i32
    %c0_i32_2 = arith.constant 0 : i32
    return %get3A_0, %c0_i32, %c0_i32_1 : i32, i32, i32
  }
  func.func @transform_3(%arg0: i32, %arg1: memref<24xi32, #tpu.memory_space<smem>>, %arg2: memref<24xi32, #tpu.memory_space<smem>>) -> (i32, i32, i32) {
    %get3A = arith.index_cast %arg0 : i32 to index
    %get3A_0 = memref.load %arg1[%get3A] : memref<24xi32, #tpu.memory_space<smem>>
    %c0_i32 = arith.constant 0 : i32
    %c0_i32_1 = arith.constant 0 : i32
    %c0_i32_2 = arith.constant 0 : i32
    return %get3A_0, %c0_i32, %c0_i32_1 : i32, i32, i32
  }
  func.func @transform_4(%arg0: i32, %arg1: memref<24xi32, #tpu.memory_space<smem>>, %arg2: memref<24xi32, #tpu.memory_space<smem>>) -> (i32, i32) {
    %c0_i32 = arith.constant 0 : i32
    %c0_i32_0 = arith.constant 0 : i32
    return %arg0, %c0_i32 : i32, i32
  }
  func.func @transform_5(%arg0: i32, %arg1: memref<24xi32, #tpu.memory_space<smem>>, %arg2: memref<24xi32, #tpu.memory_space<smem>>) -> (i32, i32) {
    %c0_i32 = arith.constant 0 : i32
    %c0_i32_0 = arith.constant 0 : i32
    return %arg0, %c0_i32 : i32, i32
  }
}

</mosaic_0001>

<sc_bundles>
// kernel: gather_offload_async_start.1
scs
__scs_entry_jumppad:
0x0: {  	(pc) =	sbr.rel $0x88, $3  }
0x1: {  	(tag) =	ssettag $0x0;
	lr =	simm.s32 $0x1  }
0x2: {  	[smem:$0x3F96] =	sst lr;
	_ =	strace $0xD0000000  }
0x3: {  	_ = 	snop  }
0x4: {  	_ = 	snop  }
0x5: {  	_ = 	snop  }
0x6: {  	_ = 	snop  }
0x7: {  	_ = 	snop  }
__scs_overlays_trampoline_lowered:
0x8: {  	[smem:$0x3FA5] =	sst s0  }
0x9: {  	[smem:$0x3FA6] =	sst s1  }
0xa: {  	[smem:$0x3FA7] =	sst s2  }
0xb: {  	[smem:$0x3FA8] =	sst s3  }
0xc: {  	[smem:$0x3FA9] =	sst s4  }
0xd: {  	[smem:$0x3FAA] =	sst s5  }
0xe: {  	[smem:$0x3FAB] =	sst s6  }
0xf: {  	[smem:$0x3FAC] =	sst s7  }
0x10: {  	[smem:$0x3FAD] =	sst s8  }
0x11: {  	[smem:$0x3FAE] =	sst s9;
	s0 =	simm.s32 @!p0 $0x0  }
0x12: {  	s1 =	sld [smem:$0x3F94];
	s0 =	simm.s32 @p0 $0x1  }
0x13: {  	[smem:$0x3FAF] =	sst s0;
	s0 =	simm.s32 @!p1 $0x0  }
0x14: {  	s2 =	sld [smem:$0x3F93];
	s0 =	simm.s32 @p1 $0x1  }
0x15: {  	[smem:$0x3FB0] =	sst s0;
	s0 =	simm.s32 @!p2 $0x0  }
0x16: {  	s3 =	sld [smem:$0x3FDB];
	s0 =	simm.s32 @p2 $0x1  }
0x17: {  	s4 =	simm.s32 $0x1BF5;
	[smem:$0x3FB2] =	sst s0  }
0x18: {  	s0 =	sld [smem:$0x3F95];
	_ =	swait.ge [sflag:s4], $0x0  }
0x19: {  	s7 =	sld [smem:$0x3F96]  }
0x1a: {  	s8 =	sadd.s32 $0xFFFFE003, lr  }
0x1b: {  	s9 =	sadd.s32 $0xFFFFFEF7, lr;
	s5 =	simm.s32 $0xFFFFFFFF;
	p2 =	slt.u32 s8, $0xFFFFF086  }
0x1c: {  	p1 =	slt.u32 s9, $0xF7A;
	s5 =	simm.s32 @!p2 $0x0  }
0x1d: {  	s5 =	simm.s32 @p1 $0x1;
	p0 =	seq.s32 s7, s2  }
0x1e: {  	s7 =	smul.u32 @!p0 $0xF7A, s2;
	p2 =	seq.s32 @!p0 s5, $0x0  }
0x1f: {  	s9 =	smul.u32 $0xF7A, s1;
	s8 =	simm.s32 @!p0 $0x1BF5;
	p2 =	por !p2, p0  }
0x20: {  	[sflag:s8] =	ssyncset.s32 @!p0 $0xFFFFF086;
	s6 =	sadd.s32 @!p0 s3, s7;
	s7 =	simm.s32 @!p0 $0x108  }
0x21: {  	s3 =	sadd.s32 s3, s9;
	s6 =	sadd.s32 @!p0 $0x88, s6;
	s7 =	simm.s32 @p2 $0x1082  }
0x22: {  	[simem:s7], [sflag:s8] =	dma.local @!p0 [hbm:s6], $0xF7A  }
0x23: {  	s9 =	sor.u32 $0xD0000000, s2;
	s6 =	simm.s32 $0x108;
	_ =	swait.ge @!p0 [sflag:s8], $0x0  }
0x24: {  	s3 =	sadd.s32 $0x88, s3;
	s6 =	simm.s32 @!p1 $0x1082;
	[sflag:s4] =	ssyncset.s32 $0xFFFFF086  }
0x25: {  	[simem:s6], [sflag:s4] =	dma.local [hbm:s3], $0xF7A  }
0x26: {  	[smem:$0x3F96] =	sst s1;
	(tag) =	ssettag s2;
	_ =	strace s9  }
0x27: {  	s1 =	sld [smem:$0x3FA6]  }
0x28: {  	s2 =	sld [smem:$0x3FA7]  }
0x29: {  	s4 =	sld [smem:$0x3FA9]  }
0x2a: {  	p0 =	seq.s32 s5, $0x0;
	s5 =	sld [smem:$0x3FAA]  }
0x2b: {  	s6 =	sld [smem:$0x3FAB]  }
0x2c: {  	s7 =	sld [smem:$0x3FAC]  }
0x2d: {  	s3 =	simm.s32 $0x108;
	s8 =	sld [smem:$0x3FAD]  }
0x2e: {  	s3 =	simm.s32 @!p0 $0x1082;
	s9 =	sld [smem:$0x3FAE]  }
0x2f: {  	lr =	sadd.s32 s0, s3;
	s0 =	sld [smem:$0x3FA5]  }
0x30: {  	s3 =	sld [smem:$0x3FA8]  }
0x31: {  	[smem:$0x3FB1] =	sst s10  }
0x32: {  	s10 =	sld [smem:$0x3FAF];
	_ =	sdelay $0x3  }
0x33: {  	p0 =	seq.s32 s10, $0x1;
	s10 =	sld [smem:$0x3FB1];
	_ =	sdelay $0x3  }
0x34: {  	[smem:$0x3FB1] =	sst s10  }
0x35: {  	s10 =	sld [smem:$0x3FB0];
	_ =	sdelay $0x3  }
0x36: {  	p1 =	seq.s32 s10, $0x1;
	s10 =	sld [smem:$0x3FB1];
	_ =	sdelay $0x3  }
0x37: {  	[smem:$0x3FB1] =	sst s10  }
0x38: {  	s10 =	sld [smem:$0x3FB2]  }
0x39: {  	_ = 	snop;
	(pc) =	sbr.ind lr, $3  }
0x3a: {  	_ = 	snop  }
0x3b: {  	_ = 	snop  }
0x3c: {  	p2 =	seq.s32 s10, $0x1;
	s10 =	sld [smem:$0x3FB1]  }
0x3d: {  	_ =	shalt  }
0x3e: {  	_ =	shalt  }
0x3f: {  	_ =	shalt  }
0x40: {  	_ =	shalt  }
0x41: {  	_ =	shalt  }
0x42: {  	_ =	shalt  }
0x43: {  	_ =	shalt  }
0x44: {  	_ =	shalt  }
0x45: {  	_ =	shalt  }
0x46: {  	_ =	shalt  }
0x47: {  	_ =	shalt  }
0x48: {  	_ =	shalt  }
0x49: {  	_ =	shalt  }
0x4a: {  	_ =	shalt  }
0x4b: {  	_ =	shalt  }
0x4c: {  	_ =	shalt  }
0x4d: {  	_ =	shalt  }
0x4e: {  	_ =	shalt  }
0x4f: {  	_ =	shalt  }
0x50: {  	_ =	shalt  }
0x51: {  	_ =	shalt  }
0x52: {  	_ =	shalt  }
0x53: {  	_ =	shalt  }
0x54: {  	_ =	shalt  }
0x55: {  	_ =	shalt  }
0x56: {  	_ =	shalt  }
0x57: {  	_ =	shalt  }
0x58: {  	_ =	shalt  }
0x59: {  	_ =	shalt  }
0x5a: {  	_ =	shalt  }
0x5b: {  	_ =	shalt  }
0x5c: {  	_ =	shalt  }
0x5d: {  	_ =	shalt  }
0x5e: {  	_ =	shalt  }
0x5f: {  	_ =	shalt  }
0x60: {  	_ =	shalt  }
0x61: {  	_ =	shalt  }
0x62: {  	_ =	shalt  }
0x63: {  	_ =	shalt  }
0x64: {  	_ =	shalt  }
0x65: {  	_ =	shalt  }
0x66: {  	_ =	shalt  }
0x67: {  	_ =	shalt  }
0x68: {  	_ =	shalt  }
0x69: {  	_ =	shalt  }
0x6a: {  	_ =	shalt  }
0x6b: {  	_ =	shalt  }
0x6c: {  	_ =	shalt  }
0x6d: {  	_ =	shalt  }
0x6e: {  	_ =	shalt  }
0x6f: {  	_ =	shalt  }
0x70: {  	_ =	shalt  }
0x71: {  	_ =	shalt  }
0x72: {  	_ =	shalt  }
0x73: {  	_ =	shalt  }
0x74: {  	_ =	shalt  }
0x75: {  	_ =	shalt  }
0x76: {  	_ =	shalt  }
0x77: {  	_ =	shalt  }
0x78: {  	_ =	shalt  }
0x79: {  	_ =	shalt  }
0x7a: {  	_ =	shalt  }
0x7b: {  	_ =	shalt  }
0x7c: {  	_ =	shalt  }
0x7d: {  	_ =	shalt  }
0x7e: {  	_ =	shalt  }
0x7f: {  	_ =	shalt  }
0x80: {  	_ =	shalt  }
0x81: {  	_ =	shalt  }
0x82: {  	_ =	shalt  }
0x83: {  	_ =	shalt  }
0x84: {  	_ =	shalt  }
0x85: {  	_ =	shalt  }
0x86: {  	_ =	shalt  }
0x87: {  	_ =	shalt  }
.Lfunc_end0:
.L_simem_size_0:
called_computation.1_lowered:
.L_overlay_start_0:
0x88: {  	s2 =	sld [smem:$0x3FD9]  }
0x89: {  	s3 =	sld [smem:$0x3FFE];
	_ =	sdelay $0x1  }
0x8a: {  	s1 =	srdreg.scid  }
0x8b: {  	s0 =	sand.u32 $0x1, s1  }
0x8c: {  	s17 =	sshll.u32 s0, $0xA;
	s2 =	sadd.s32 s3, s2  }
0x8d: {  	s2 =	sadd.s32 s2, s17  }
0x8e: {  	[smem:$0x3FBD] =	sst s2  }
0x8f: {  	_ = 	snop  }
0x90: {  	(tm) =	ssettm $0x1  }
0x91: {  	s18 =	sld [smem:$0x3FFB];
	_ =	sdelay $0x3  }
0x92: {  	_ =	strace s18  }
0x93: {  	s2 =	sld [smem:$0x3FFC];
	_ =	sdelay $0x3  }
0x94: {  	_ =	strace s2  }
0x95: {  	s2 =	sld [smem:$0x3FFD];
	_ =	sdelay $0x3  }
0x96: {  	_ =	strace s2  }
0x97: {  	_ =	strace $0x8FFFFFFF  }
0x98: {  	s19 =	sld [smem:$0x3FDB];
	_ =	sdelay $0x1  }
0x99: {  	s20 =	simm.s32 $_scs_section_size  }
0x9a: {  	s4 =	simm.s32 $_size__tile_overlayer_lowered;
	s5 =	simm.s32 $_tile_overlayer_lowered  }
0x9b: {  	s6 =	simm.s32 $0x1BFF;
	s21 =	sshll.u32 s5, $0x1;
	s3 =	sadd.s32 s20, s19  }
0x9c: {  	s22 =	simm.s32 $0x0;
	s4 =	sshll.u32 s4, $0x1;
	s5 =	sadd.s32 s21, s3  }
0x9d: {  	[timem:s22], [sflag:s6] =	dma.local [hbm:s5], s4  }
0x9e: {  	_ =	swait.ge [sflag:s6], s4  }
0x9f: {  	s4 =	ssub.s32 $0x0, s4;
	[sflag:s6] =	ssyncset.done $0x0  }
0xa0: {  	[sflag:s6] =	ssyncadd.s32 s4;
	_ =	sdelay $0x1  }
0xa1: {  	s23 =	simm.s32 $0x1B8B  }
0xa2: {  	_ =	swait.ge [sflag:s23], $0x1  }
0xa3: {  	[sflag:s23] =	ssyncset.done $0x0  }
0xa4: {  	[sflag:s23] =	ssyncadd.s32 $0xFFFFFFFF  }
0xa5: {  	s4 =	sld [smem:$0x0]  }
0xa6: {  	s5 =	sand.u32 $0xFFFFFFFE, s1  }
0xa7: {  	p0 =	sne.s32 s1, s5  }
0xa8: {  	s5 =	sshll.u32 @p0 s5, $0xE  }
0xa9: {  	s5 =	sadd.s32 @p0 $0x11B8D, s5;
	s6 =	sshll.u32 @p0 s4, $0x11  }
0xaa: {  	s5 =	sor.u32 @p0 s6, s5  }
0xab: {  	[sflag:s5] =	ssyncadd.remote.s32 @p0 $0x1;
	_ =	sdelay $0x1  }
0xac: {  	s5 =	simm.s32 @p0 $0x1B8D  }
0xad: {  	_ =	swait.eq @p0 [sflag:s5], $0x1  }
0xae: {  	[sflag:s5] =	ssyncadd.s32 @p0 $0xFFFFFFFF  }
0xaf: {  	s6 =	sshll.u32 @!p0 s1, $0xE  }
0xb0: {  	s6 =	sor.u32 @!p0 $0x4000, s6;
	s5 =	simm.s32 @!p0 $0x1B8D  }
0xb1: {  	s4 =	sshll.u32 @!p0 s4, $0x11;
	s6 =	sadd.s32 @!p0 $0x11B8D, s6;
	_ =	swait.eq @!p0 [sflag:s5], $0x1  }
0xb2: {  	s4 =	sor.u32 @!p0 s4, s6;
	[sflag:s5] =	ssyncadd.s32 @!p0 $0xFFFFFFFF  }
0xb3: {  	s25 =	simm.s32 $0x1B8E;
	s24 =	sld [smem:$0x3FFE];
	[sflag:s4] =	ssyncadd.remote.s32 @!p0 $0x1  }
0xb4: {  	s26 =	simm.s32 $execute0_lowered;
	[smem:$0x3FD2] =	sst s25  }
0xb5: {  	s5 =	sshll.u32 s26, $0x1;
	_ =	strace $0x8000004F;
	[dreg:$0x1] =	wrdreg $0xFFFFFFFF  }
0xb6: {  	s28 =	simm.s32 $_size_execute0_lowered;
	s3 =	sadd.s32 s3, s5;
	[dreg:$0x0] =	wrdreg $0x0  }
0xb7: {  	s5 =	sshll.u32 s28, $0x1;
	[dreg:$0x2] =	wrdreg s3  }
0xb8: {  	[dreg:$0x3] =	wrdreg s5  }
0xb9: {  	[dreg:$0x4] =	wrdreg $0xC0  }
0xba: {  	_ =	task [dreg:s22], $0x5FFFF  }
0xbb: {  	[dreg:$0x1] =	wrdreg $0xFFFFFFFF  }
0xbc: {  	[dreg:$0x0] =	wrdreg $0x60  }
0xbd: {  	[dreg:$0x2] =	wrdreg s24  }
0xbe: {  	[dreg:$0x3] =	wrdreg $0x9  }
0xbf: {  	_ =	task.clear_ibuf [dreg:s22], $0x4FFFF;
	_ =	strace $0x9000004F  }
0xc0: {  	s29 =	simm.s32 $0x9;
	_ =	strace $0x80000051  }
0xc1: {  	_ =	swait.ge [sflag:s29], $0x1  }
0xc2: {  	[sflag:s29] =	ssyncadd.s32 $0xFFFFFFFF  }
0xc3: {  	_ =	strace $0x90000051  }
0xc4: {  	_ =	sfence  }
0xc5: {  	s30 =	sld [smem:$0x0];
	_ =	sdelay $0x2  }
0xc6: {  	s31 =	sshll.u32 s1, $0xD;
	s1 =	sshrl.u32 s1, $0x2  }
0xc7: {  	s4 =	sand.u32 $0x4000, s31;
	s1 =	sadd.s32 s1, s30  }
0xc8: {  	s0 =	sor.u32 s4, s0;
	s1 =	sshll.u32 s1, $0x11  }
0xc9: {  	s0 =	sor.u32 s1, s0  }
0xca: {  	s0 =	sadd.s32 $0x8F2B, s0  }
0xcb: {  	[sflag:s0] =	ssyncadd.remote.s32 $0x1  }
0xcc: {  	_ =	sfence.sel $0xFFFF  }
0xcd: {  	[dreg:$0x0] =	wrdreg $0xFFFFFFFF;
	(pc) =	sbr.abs _section_cstart, $3  }
0xce: {  	[dreg:$0x1] =	wrdreg $0xFFFFFFFF  }
0xcf: {  	_ =	task.clear_ibuf [dreg:s22], $0x2FFFF;
	_ =	strace $0x9FFFFFFF  }
0xd0: {  	(tm) =	ssettm $0x7FFFFFFF  }
0xd1: {  	_ =	shalt  }
tec
execute0_lowered:
.L_overlay_start_1:
0x0: {  	(tag) =	ssettag $0x1  }
0x1: {  	s7 =	rddreg [dreg:$0x0]  }
0x2: {  	s0 =	rddreg [dreg:$0x1];
	_ =	strace $0x80000050  }
0x3: {  	s1 =	srdreg.scid;
	s4 =	simm.s32 $0x1;
	s9 =	simm.s32 $0x3  }
0x4: {  	s12 =	simm.s32 $0x0;
	s10 =	simm.s32 $0x0;
	s5 =	sshll.u32 s1, $0x4  }
.Ltmp0:
0x5: {  	s1 =	stileid.u32;
	s5 =	sand.u32 $0x10, s5;
	(pc) =	sbr.rel .LBB2_1-.Ltmp0, $4  }
0x6: {  	s2 =	sadd.s32 $0x153C00, s7;
	s3 =	sadd.s32 $0x31600, s7;
	s6 =	sor.u32 s1, s5  }
0x7: {  	[sflag:s4] =	ssyncpa.u1 $0x0;
	s5 =	simm.s32 $0x2;
	s6 =	sshll.u32 s6, $0x6  }
0x8: {  	s7 =	sadd.s32 $0x31800, s7;
	[sflag:s5] =	ssyncpa.u1 $0x0;
	s8 =	sadd.s32 $0x40, s6  }
0x9: {  	vm0 =	vmmov $0xff;
	vm1 =	vcmask $0x3F20;
	[sflag:s9] =	ssyncpa.u1 $0x0;
	s9 =	simm.s32 $0x40;
	s11 =	smov.u32 s6  }
.LBB2_11:
0xa: {  	p0 =	seq.s32 s10, $0x2  }
.Ltmp1:
0xb: {  	_ = 	snop;
	(pc) =	sbr.rel @p0 .LBB2_13-.Ltmp1, $1  }
0xc: {  	_ =	sdelay $0x3  }
.LBB2_12:
0xd: {  	s12 =	sadd.s32 $0x40, s11  }
0xe: {  	s13 =	smov.u32 s6;
	p0 =	slt.s32 s12, s8  }
0xf: {  	s13 =	smov.u32 @p0 s12  }
0x10: {  	s10 =	sadd.s32 $0x1, s10;
	s12 =	smov.u32 s11;
	s11 =	smov.u32 s13  }
.LBB2_1:
0x11: {  	p0 =	sne.s32 s10, $0x0  }
.Ltmp2:
0x12: {  	_ = 	snop;
	(pc) =	sbr.rel @!p0 .LBB2_2-.Ltmp2, $1  }
0x13: {  	_ =	sdelay $0x3  }
0x14: {  	s13 =	sand.u32 $0x1, s10  }
0x15: {  	p0 =	seq.s32 s13, $0x0  }
.Ltmp3:
0x16: {  	_ = 	snop;
	(pc) =	sbr.rel @p0 .LBB2_11-.Ltmp3, $1  }
0x17: {  	_ =	sdelay $0x3  }
0x18: {  	_ =	swait.ge [sflag:s5], $0x40  }
0x19: {  	[sflag:s5] =	ssyncset.done $0x0  }
0x1a: {  	s13 =	simm.s32 $0x0;
	s14 =	simm.s32 $0x80;
	[sflag:s5] =	ssyncadd.s32 $0xFFFFFFC0  }
.LBB2_5:
0x1b: {  	s15 =	sshll.u32 s13, $0x4  }
0x1c: {  	s15 =	sand.u32 $0x3FFFFFF0, s15  }
0x1d: {  	v0 =	vld.msk [tilespmem:s15+$0x40 ss:$0x1], $0xffff;
	_ =	sdelay $0x4  }
0x1e: {  	vm2 =	vgt.s32 v0, $0x0  }
0x1f: {  	v0 =	vnsel vm2, $0x0, v0  }
0x20: {  	v0 =	vmin.u32 v0, $0x17FF  }
0x21: {  	v1 =	vshrl.u32 v0, $0x3  }
0x22: {  	v0 =	vshll.u32 v0, $0x7;
	v1 =	vmul.u32 $0x1800, v1  }
0x23: {  	v0 =	vand.u32 $0x380, v0  }
0x24: {  	v0 =	vor.u32 v0, v1  }
0x25: {  	v0 =	vshrl.u32 v0, $0x3;
	_ =	sdelay $0x2  }
0x26: {  	s16 =	sadd.s32 $0xFFFFE800, s14  }
0x27: {  	s31 =	sadd.s32 $0xD800, s16;
	s16 =	sadd.s32 $0xF000, s16;
	s15 =	simm.s32 $0xFFFFB000  }
0x28: {  	v1 =	vadd.s32 $0x80, v0;
	[tilespmem:s31], [sflag:$0x1] =	stream.indirect_vreg.gather [hbm:s2], $0x80, v0, vm0, $0x38;
	[tilespmem:$0x18080] =	vst v63  }
.LBB2_6:
0x29: {  	[tilespmem:s16], [sflag:$0x1] =	stream.indirect_vreg.gather [hbm:s2], $0x80, v0, vm1, $0x38;
	[tilespmem:$0x18080] =	vst v63  }
0x2a: {  	v0 =	vmov v1;
	p0 =	sne.s32 s15, $0xFFFFF000  }
.Ltmp4:
0x2b: {  	s16 =	sshra.s32 s15, $0x2;
	(pc) =	sbr.rel @p0 .LBB2_6-.Ltmp4, $4  }
0x2c: {  	s15 =	sadd.s32 $0x1000, s15;
	s16 =	sadd.s32 s16, s14  }
0x2d: {  	s17 =	sadd.s32 $0xD800, s16  }
0x2e: {  	[tilespmem:s17], [sflag:$0x1] =	stream.indirect_vreg.gather [hbm:s2], $0x80, v1, vm0, $0x38;
	[tilespmem:$0x18080] =	vst v63  }
0x2f: {  	s16 =	sadd.s32 $0xF000, s16;
	v1 =	vadd.s32 $0x80, v1  }
0x30: {  	s13 =	sadd.s32 $0x1, s13  }
0x31: {  	p0 =	sne.s32 s13, $0x4  }
.Ltmp5:
0x32: {  	_ = 	snop;
	(pc) =	sbr.rel @p0 .LBB2_5-.Ltmp5, $3  }
0x33: {  	_ =	sdelay $0x1  }
0x34: {  	[tilespmem:s16], [sflag:$0x1] =	stream.indirect_vreg.gather [hbm:s2], $0x80, v0, vm1, $0x38;
	[tilespmem:$0x18080] =	vst v63  }
0x35: {  	s14 =	sadd.s32 $0x3000, s14  }
0x36: {  	s13 =	sshrl.u32 s12, $0x3  }
0x37: {  	s13 =	smul.u32 $0x300, s13  }
0x38: {  	_ =	swait.ge [sflag:s4], $0xC000;
	s31 =	sshll.u32 s12, $0x4  }
0x39: {  	s14 =	simm.s32 $0x300;
	s12 =	sand.u32 $0x70, s31;
	s13 =	sadd.s32 s13, s7  }
0x3a: {  	s15 =	simm.s32 $0xD880;
	[sflag:s4] =	ssyncset.done $0x0;
	s12 =	sadd.s32 s12, s13  }
0x3b: {  	[sflag:s4] =	ssyncadd.s32 $0xFFFF4000;
	s13 =	simm.s32 $0xC080;
	s16 =	sadd.s32 $0x0, s12  }
.LBB2_9:
0x3c: {  	[hbm:s16] =	stream.linear.scatter [tilespmem:s13], [sflag:$0x3], $0x1800, $0x38;
	[tilespmem:$0x18080] =	vst v63  }
0x3d: {  	s16 =	smov.u32 s14;
	s13 =	smov.u32 s15;
	p0 =	sne.s32 s14, $0x1500  }
.Ltmp6:
0x3e: {  	s14 =	sadd.s32 $0x300, s14;
	(pc) =	sbr.rel @p0 .LBB2_9-.Ltmp6, $2  }
0x3f: {  	_ =	sdelay $0x2  }
0x40: {  	s15 =	sadd.s32 $0x1800, s15;
	s16 =	sadd.s32 s16, s12  }
.Ltmp7:
0x41: {  	(pc) =	sbr.rel .LBB2_11-.Ltmp7, $2  }
0x42: {  	_ =	sdelay $0x2  }
0x43: {  	[hbm:s16] =	stream.linear.scatter [tilespmem:s13], [sflag:$0x3], $0x1800, $0x38;
	[tilespmem:$0x18080] =	vst v63  }
.LBB2_2:
.Ltmp8:
0x44: {  	(pc) =	sbr.rel .LBB2_12-.Ltmp8, $4  }
0x45: {  	_ = 	snop  }
0x46: {  	s12 =	sshrl.u32 s11, $0x3  }
0x47: {  	s13 =	sand.u32 $0x7, s11;
	s12 =	sadd.s32 s3, s12  }
0x48: {  	[tilespmem:s9], [sflag:$0x2] =	stream.linear.gather [hbm4b:s12+s13], $0x40, $0x38;
	[tilespmem:$0x18080] =	vst v63  }
.LBB2_13:
0x49: {  	s2 =	simm.s32 $0x3  }
0x4a: {  	_ =	swait.ge [sflag:s2], $0xC000  }
0x4b: {  	[sflag:s2] =	ssyncset.done $0x0  }
0x4c: {  	[sflag:s2] =	ssyncadd.s32 $0xFFFF4000  }
0x4d: {  	_ =	sfence.sel $0x180000  }
0x4e: {  	s3 =	simm.s32 $0x2;
	[bflag:$0x0] =	sbarrier.arrive $0xFFFF  }
0x4f: {  	[sflag:s3] =	ssyncpa.u1 $0x1  }
0x50: {  	s31 =	simm.s32 $0x1;
	[sflag:s2] =	ssyncpa.u1 $0x1  }
0x51: {  	[sflag:s31] =	ssyncpa.u1 $0x1  }
0x52: {  	p0 =	sne.s32 s1, $0x0;
	_ =	strace $0x90000050  }
0x53: {  	s0 =	sadd.s32 @!p0 $0x100000, s0;
	[bflag:$0x2] =	sbarrier.arrive $0xFFFF  }
0x54: {  	[sflag:s0] =	ssyncadd.tile.s32 @!p0 $0x1;
	_ =	shalt  }
.Lfunc_end2:
_tile_overlayer_lowered:
.L_overlay_start_2:
0x55: {  	(tag) =	ssettag $0x2  }
0x56: {  	s0 =	rddreg [dreg:$0x0];
	s2 =	stileid.u32  }
0x57: {  	s1 =	rddreg [dreg:$0x1];
	p0 =	sne.s32 s2, $0x0  }
0x58: {  	s3 =	rddreg [dreg:$0x2];
	[bflag:$0x3] =	sbarrier.arrive $0xFFFF;
	s2 =	simm.s32 @!p0 $0x1C01  }
0x59: {  	[timem:s3], [sflag:s2] =	dma.local @!p0 [hbm:s0], s1  }
0x5a: {  	s0 =	simm.s32 @!p0 $0x1  }
0x5b: {  	_ =	swait.ge @!p0 [sflag:s0], s1  }
0x5c: {  	s1 =	ssub.s32 @!p0 $0x0, s1;
	[sflag:s0] =	ssyncset.done @!p0 $0x0  }
0x5d: {  	[sflag:s0] =	ssyncadd.s32 @!p0 s1  }
0x5e: {  	[bflag:$0x3] =	sbarrier.arrive $0xFFFF  }
0x5f: {  	_ =	shalt  }

// kernel: gather_offload_async_start.2
scs
__scs_entry_jumppad:
0x0: {  	(pc) =	sbr.rel $0x88, $3  }
0x1: {  	(tag) =	ssettag $0x0;
	lr =	simm.s32 $0x1  }
0x2: {  	[smem:$0x3F96] =	sst lr;
	_ =	strace $0xD0000000  }
0x3: {  	_ = 	snop  }
0x4: {  	_ = 	snop  }
0x5: {  	_ = 	snop  }
0x6: {  	_ = 	snop  }
0x7: {  	_ = 	snop  }
__scs_overlays_trampoline_lowered:
0x8: {  	[smem:$0x3FA5] =	sst s0  }
0x9: {  	[smem:$0x3FA6] =	sst s1  }
0xa: {  	[smem:$0x3FA7] =	sst s2  }
0xb: {  	[smem:$0x3FA8] =	sst s3  }
0xc: {  	[smem:$0x3FA9] =	sst s4  }
0xd: {  	[smem:$0x3FAA] =	sst s5  }
0xe: {  	[smem:$0x3FAB] =	sst s6  }
0xf: {  	[smem:$0x3FAC] =	sst s7  }
0x10: {  	[smem:$0x3FAD] =	sst s8  }
0x11: {  	[smem:$0x3FAE] =	sst s9;
	s0 =	simm.s32 @!p0 $0x0  }
0x12: {  	s1 =	sld [smem:$0x3F94];
	s0 =	simm.s32 @p0 $0x1  }
0x13: {  	[smem:$0x3FAF] =	sst s0;
	s0 =	simm.s32 @!p1 $0x0  }
0x14: {  	s2 =	sld [smem:$0x3F93];
	s0 =	simm.s32 @p1 $0x1  }
0x15: {  	[smem:$0x3FB0] =	sst s0;
	s0 =	simm.s32 @!p2 $0x0  }
0x16: {  	s3 =	sld [smem:$0x3FDB];
	s0 =	simm.s32 @p2 $0x1  }
0x17: {  	s4 =	simm.s32 $0x1BF5;
	[smem:$0x3FB2] =	sst s0  }
0x18: {  	s0 =	sld [smem:$0x3F95];
	_ =	swait.ge [sflag:s4], $0x0  }
0x19: {  	s7 =	sld [smem:$0x3F96]  }
0x1a: {  	s8 =	sadd.s32 $0xFFFFE003, lr  }
0x1b: {  	s9 =	sadd.s32 $0xFFFFFEF7, lr;
	s5 =	simm.s32 $0xFFFFFFFF;
	p2 =	slt.u32 s8, $0xFFFFF086  }
0x1c: {  	p1 =	slt.u32 s9, $0xF7A;
	s5 =	simm.s32 @!p2 $0x0  }
0x1d: {  	s5 =	simm.s32 @p1 $0x1;
	p0 =	seq.s32 s7, s2  }
0x1e: {  	s7 =	smul.u32 @!p0 $0xF7A, s2;
	p2 =	seq.s32 @!p0 s5, $0x0  }
0x1f: {  	s9 =	smul.u32 $0xF7A, s1;
	s8 =	simm.s32 @!p0 $0x1BF5;
	p2 =	por !p2, p0  }
0x20: {  	[sflag:s8] =	ssyncset.s32 @!p0 $0xFFFFF086;
	s6 =	sadd.s32 @!p0 s3, s7;
	s7 =	simm.s32 @!p0 $0x108  }
0x21: {  	s3 =	sadd.s32 s3, s9;
	s6 =	sadd.s32 @!p0 $0x88, s6;
	s7 =	simm.s32 @p2 $0x1082  }
0x22: {  	[simem:s7], [sflag:s8] =	dma.local @!p0 [hbm:s6], $0xF7A  }
0x23: {  	s9 =	sor.u32 $0xD0000000, s2;
	s6 =	simm.s32 $0x108;
	_ =	swait.ge @!p0 [sflag:s8], $0x0  }
0x24: {  	s3 =	sadd.s32 $0x88, s3;
	s6 =	simm.s32 @!p1 $0x1082;
	[sflag:s4] =	ssyncset.s32 $0xFFFFF086  }
0x25: {  	[simem:s6], [sflag:s4] =	dma.local [hbm:s3], $0xF7A  }
0x26: {  	[smem:$0x3F96] =	sst s1;
	(tag) =	ssettag s2;
	_ =	strace s9  }
0x27: {  	s1 =	sld [smem:$0x3FA6]  }
0x28: {  	s2 =	sld [smem:$0x3FA7]  }
0x29: {  	s4 =	sld [smem:$0x3FA9]  }
0x2a: {  	p0 =	seq.s32 s5, $0x0;
	s5 =	sld [smem:$0x3FAA]  }
0x2b: {  	s6 =	sld [smem:$0x3FAB]  }
0x2c: {  	s7 =	sld [smem:$0x3FAC]  }
0x2d: {  	s3 =	simm.s32 $0x108;
	s8 =	sld [smem:$0x3FAD]  }
0x2e: {  	s3 =	simm.s32 @!p0 $0x1082;
	s9 =	sld [smem:$0x3FAE]  }
0x2f: {  	lr =	sadd.s32 s0, s3;
	s0 =	sld [smem:$0x3FA5]  }
0x30: {  	s3 =	sld [smem:$0x3FA8]  }
0x31: {  	[smem:$0x3FB1] =	sst s10  }
0x32: {  	s10 =	sld [smem:$0x3FAF];
	_ =	sdelay $0x3  }
0x33: {  	p0 =	seq.s32 s10, $0x1;
	s10 =	sld [smem:$0x3FB1];
	_ =	sdelay $0x3  }
0x34: {  	[smem:$0x3FB1] =	sst s10  }
0x35: {  	s10 =	sld [smem:$0x3FB0];
	_ =	sdelay $0x3  }
0x36: {  	p1 =	seq.s32 s10, $0x1;
	s10 =	sld [smem:$0x3FB1];
	_ =	sdelay $0x3  }
0x37: {  	[smem:$0x3FB1] =	sst s10  }
0x38: {  	s10 =	sld [smem:$0x3FB2]  }
0x39: {  	_ = 	snop;
	(pc) =	sbr.ind lr, $3  }
0x3a: {  	_ = 	snop  }
0x3b: {  	_ = 	snop  }
0x3c: {  	p2 =	seq.s32 s10, $0x1;
	s10 =	sld [smem:$0x3FB1]  }
0x3d: {  	_ =	shalt  }
0x3e: {  	_ =	shalt  }
0x3f: {  	_ =	shalt  }
0x40: {  	_ =	shalt  }
0x41: {  	_ =	shalt  }
0x42: {  	_ =	shalt  }
0x43: {  	_ =	shalt  }
0x44: {  	_ =	shalt  }
0x45: {  	_ =	shalt  }
0x46: {  	_ =	shalt  }
0x47: {  	_ =	shalt  }
0x48: {  	_ =	shalt  }
0x49: {  	_ =	shalt  }
0x4a: {  	_ =	shalt  }
0x4b: {  	_ =	shalt  }
0x4c: {  	_ =	shalt  }
0x4d: {  	_ =	shalt  }
0x4e: {  	_ =	shalt  }
0x4f: {  	_ =	shalt  }
0x50: {  	_ =	shalt  }
0x51: {  	_ =	shalt  }
0x52: {  	_ =	shalt  }
0x53: {  	_ =	shalt  }
0x54: {  	_ =	shalt  }
0x55: {  	_ =	shalt  }
0x56: {  	_ =	shalt  }
0x57: {  	_ =	shalt  }
0x58: {  	_ =	shalt  }
0x59: {  	_ =	shalt  }
0x5a: {  	_ =	shalt  }
0x5b: {  	_ =	shalt  }
0x5c: {  	_ =	shalt  }
0x5d: {  	_ =	shalt  }
0x5e: {  	_ =	shalt  }
0x5f: {  	_ =	shalt  }
0x60: {  	_ =	shalt  }
0x61: {  	_ =	shalt  }
0x62: {  	_ =	shalt  }
0x63: {  	_ =	shalt  }
0x64: {  	_ =	shalt  }
0x65: {  	_ =	shalt  }
0x66: {  	_ =	shalt  }
0x67: {  	_ =	shalt  }
0x68: {  	_ =	shalt  }
0x69: {  	_ =	shalt  }
0x6a: {  	_ =	shalt  }
0x6b: {  	_ =	shalt  }
0x6c: {  	_ =	shalt  }
0x6d: {  	_ =	shalt  }
0x6e: {  	_ =	shalt  }
0x6f: {  	_ =	shalt  }
0x70: {  	_ =	shalt  }
0x71: {  	_ =	shalt  }
0x72: {  	_ =	shalt  }
0x73: {  	_ =	shalt  }
0x74: {  	_ =	shalt  }
0x75: {  	_ =	shalt  }
0x76: {  	_ =	shalt  }
0x77: {  	_ =	shalt  }
0x78: {  	_ =	shalt  }
0x79: {  	_ =	shalt  }
0x7a: {  	_ =	shalt  }
0x7b: {  	_ =	shalt  }
0x7c: {  	_ =	shalt  }
0x7d: {  	_ =	shalt  }
0x7e: {  	_ =	shalt  }
0x7f: {  	_ =	shalt  }
0x80: {  	_ =	shalt  }
0x81: {  	_ =	shalt  }
0x82: {  	_ =	shalt  }
0x83: {  	_ =	shalt  }
0x84: {  	_ =	shalt  }
0x85: {  	_ =	shalt  }
0x86: {  	_ =	shalt  }
0x87: {  	_ =	shalt  }
.Lfunc_end0:
.L_simem_size_0:
called_computation.2_lowered:
.L_overlay_start_0:
0x88: {  	s2 =	sld [smem:$0x3FD9]  }
0x89: {  	s3 =	sld [smem:$0x3FFE];
	_ =	sdelay $0x1  }
0x8a: {  	s1 =	srdreg.scid  }
0x8b: {  	s0 =	sand.u32 $0x1, s1  }
0x8c: {  	s16 =	sshll.u32 s0, $0xA;
	s2 =	sadd.s32 s3, s2  }
0x8d: {  	s2 =	sadd.s32 s2, s16  }
0x8e: {  	[smem:$0x3FBD] =	sst s2  }
0x8f: {  	_ = 	snop  }
0x90: {  	(tm) =	ssettm $0x1  }
0x91: {  	s17 =	sld [smem:$0x3FFB];
	_ =	sdelay $0x3  }
0x92: {  	_ =	strace s17  }
0x93: {  	s2 =	sld [smem:$0x3FFC];
	_ =	sdelay $0x3  }
0x94: {  	_ =	strace s2  }
0x95: {  	s2 =	sld [smem:$0x3FFD];
	_ =	sdelay $0x3  }
0x96: {  	_ =	strace s2  }
0x97: {  	_ =	strace $0x8FFFFFFF  }
0x98: {  	s18 =	sld [smem:$0x3FDB];
	_ =	sdelay $0x1  }
0x99: {  	s19 =	simm.s32 $_scs_section_size  }
0x9a: {  	s4 =	simm.s32 $_size__tile_overlayer_lowered;
	s5 =	simm.s32 $_tile_overlayer_lowered  }
0x9b: {  	s22 =	simm.s32 $0x1BFF;
	s21 =	sshll.u32 s5, $0x1;
	s2 =	sadd.s32 s19, s18  }
0x9c: {  	s6 =	simm.s32 $0x0;
	s20 =	sshll.u32 s4, $0x1;
	s4 =	sadd.s32 s21, s2  }
0x9d: {  	[timem:s6], [sflag:s22] =	dma.local [hbm:s4], s20  }
0x9e: {  	_ =	swait.ge [sflag:s22], s20  }
0x9f: {  	s3 =	ssub.s32 $0x0, s20;
	[sflag:s22] =	ssyncset.done $0x0  }
0xa0: {  	[sflag:s22] =	ssyncadd.s32 s3;
	_ =	sdelay $0x1  }
0xa1: {  	s23 =	simm.s32 $0x1B8B  }
0xa2: {  	_ =	swait.ge [sflag:s23], $0x1  }
0xa3: {  	[sflag:s23] =	ssyncset.done $0x0  }
0xa4: {  	s25 =	simm.s32 $0x1B8E;
	s24 =	sld [smem:$0x3FFE];
	[sflag:s23] =	ssyncadd.s32 $0xFFFFFFFF  }
0xa5: {  	s26 =	simm.s32 $execute0_lowered;
	[smem:$0x3FD2] =	sst s25  }
0xa6: {  	s4 =	sshll.u32 s26, $0x1;
	_ =	strace $0x8000004C;
	[dreg:$0x1] =	wrdreg $0xFFFFFFFF  }
0xa7: {  	s28 =	simm.s32 $_size_execute0_lowered;
	s2 =	sadd.s32 s2, s4;
	[dreg:$0x0] =	wrdreg $0x0  }
0xa8: {  	s4 =	sshll.u32 s28, $0x1;
	[dreg:$0x2] =	wrdreg s2  }
0xa9: {  	[dreg:$0x3] =	wrdreg s4  }
0xaa: {  	[dreg:$0x4] =	wrdreg $0xC0  }
0xab: {  	_ =	task [dreg:s6], $0x5FFFF  }
0xac: {  	[dreg:$0x1] =	wrdreg $0xFFFFFFFF  }
0xad: {  	[dreg:$0x0] =	wrdreg $0x60  }
0xae: {  	[dreg:$0x2] =	wrdreg s24  }
0xaf: {  	[dreg:$0x3] =	wrdreg $0xA  }
0xb0: {  	_ =	task.clear_ibuf [dreg:s6], $0x4FFFF;
	_ =	strace $0x9000004C  }
0xb1: {  	s29 =	simm.s32 $0xA;
	_ =	strace $0x8000004E  }
0xb2: {  	_ =	swait.ge [sflag:s29], $0x1  }
0xb3: {  	[sflag:s29] =	ssyncadd.s32 $0xFFFFFFFF  }
0xb4: {  	_ =	strace $0x9000004E  }
0xb5: {  	_ =	sfence  }
0xb6: {  	s30 =	sld [smem:$0x0];
	_ =	sdelay $0x2  }
0xb7: {  	s31 =	sshll.u32 s1, $0xD;
	s1 =	sshrl.u32 s1, $0x2  }
0xb8: {  	s3 =	sand.u32 $0x4000, s31;
	s1 =	sadd.s32 s1, s30  }
0xb9: {  	s0 =	sor.u32 s3, s0;
	s1 =	sshll.u32 s1, $0x11  }
0xba: {  	s0 =	sor.u32 s1, s0  }
0xbb: {  	s0 =	sadd.s32 $0x8F2B, s0  }
0xbc: {  	[sflag:s0] =	ssyncadd.remote.s32 $0x1  }
0xbd: {  	_ =	sfence.sel $0xFFFF  }
0xbe: {  	[dreg:$0x0] =	wrdreg $0xFFFFFFFF;
	(pc) =	sbr.abs _section_cstart, $3  }
0xbf: {  	[dreg:$0x1] =	wrdreg $0xFFFFFFFF  }
0xc0: {  	_ =	task.clear_ibuf [dreg:s6], $0x2FFFF;
	_ =	strace $0x9FFFFFFF  }
0xc1: {  	(tm) =	ssettm $0x7FFFFFFF  }
tec
execute0_lowered:
.L_overlay_start_1:
0x0: {  	(tag) =	ssettag $0x1  }
0x1: {  	s7 =	rddreg [dreg:$0x0]  }
0x2: {  	s0 =	rddreg [dreg:$0x1];
	_ =	strace $0x8000004D  }
0x3: {  	s1 =	srdreg.scid;
	s4 =	simm.s32 $0x1;
	s9 =	simm.s32 $0x3  }
0x4: {  	s12 =	simm.s32 $0x0;
	s10 =	simm.s32 $0x0;
	s5 =	sshll.u32 s1, $0x4  }
.Ltmp0:
0x5: {  	s1 =	stileid.u32;
	s5 =	sand.u32 $0x10, s5;
	(pc) =	sbr.rel .LBB2_1-.Ltmp0, $4  }
0x6: {  	s2 =	sadd.s32 $0x153C00, s7;
	s3 =	sadd.s32 $0x1400, s7;
	s6 =	sor.u32 s1, s5  }
0x7: {  	[sflag:s4] =	ssyncpa.u1 $0x0;
	s5 =	simm.s32 $0x2;
	s6 =	sshll.u32 s6, $0x6  }
0x8: {  	s7 =	sadd.s32 $0x1600, s7;
	[sflag:s5] =	ssyncpa.u1 $0x0;
	s8 =	sadd.s32 $0x40, s6  }
0x9: {  	vm0 =	vmmov $0xff;
	vm1 =	vcmask $0x3F20;
	[sflag:s9] =	ssyncpa.u1 $0x0;
	s9 =	simm.s32 $0x40;
	s11 =	smov.u32 s6  }
.LBB2_11:
0xa: {  	p0 =	seq.s32 s10, $0x2  }
.Ltmp1:
0xb: {  	_ = 	snop;
	(pc) =	sbr.rel @p0 .LBB2_13-.Ltmp1, $1  }
0xc: {  	_ =	sdelay $0x3  }
.LBB2_12:
0xd: {  	s12 =	sadd.s32 $0x40, s11  }
0xe: {  	s13 =	smov.u32 s6;
	p0 =	slt.s32 s12, s8  }
0xf: {  	s13 =	smov.u32 @p0 s12  }
0x10: {  	s10 =	sadd.s32 $0x1, s10;
	s12 =	smov.u32 s11;
	s11 =	smov.u32 s13  }
.LBB2_1:
0x11: {  	p0 =	sne.s32 s10, $0x0  }
.Ltmp2:
0x12: {  	_ = 	snop;
	(pc) =	sbr.rel @!p0 .LBB2_2-.Ltmp2, $1  }
0x13: {  	_ =	sdelay $0x3  }
0x14: {  	s13 =	sand.u32 $0x1, s10  }
0x15: {  	p0 =	seq.s32 s13, $0x0  }
.Ltmp3:
0x16: {  	_ = 	snop;
	(pc) =	sbr.rel @p0 .LBB2_11-.Ltmp3, $1  }
0x17: {  	_ =	sdelay $0x3  }
0x18: {  	_ =	swait.ge [sflag:s5], $0x40  }
0x19: {  	[sflag:s5] =	ssyncset.done $0x0  }
0x1a: {  	s13 =	simm.s32 $0x0;
	s14 =	simm.s32 $0x80;
	[sflag:s5] =	ssyncadd.s32 $0xFFFFFFC0  }
.LBB2_5:
0x1b: {  	s15 =	sshll.u32 s13, $0x4  }
0x1c: {  	s15 =	sand.u32 $0x3FFFFFF0, s15  }
0x1d: {  	v0 =	vld.msk [tilespmem:s15+$0x40 ss:$0x1], $0xffff;
	_ =	sdelay $0x4  }
0x1e: {  	vm2 =	vgt.s32 v0, $0x0  }
0x1f: {  	v0 =	vnsel vm2, $0x0, v0  }
0x20: {  	v0 =	vmin.u32 v0, $0x17FF  }
0x21: {  	v1 =	vshrl.u32 v0, $0x3  }
0x22: {  	v0 =	vshll.u32 v0, $0x7;
	v1 =	vmul.u32 $0x1800, v1  }
0x23: {  	v0 =	vand.u32 $0x380, v0  }
0x24: {  	v0 =	vor.u32 v0, v1  }
0x25: {  	v0 =	vshrl.u32 v0, $0x3;
	_ =	sdelay $0x2  }
0x26: {  	s16 =	sadd.s32 $0xFFFFE800, s14  }
0x27: {  	s31 =	sadd.s32 $0xD800, s16;
	s16 =	sadd.s32 $0xF000, s16;
	s15 =	simm.s32 $0xFFFFB000  }
0x28: {  	v1 =	vadd.s32 $0x80, v0;
	[tilespmem:s31], [sflag:$0x1] =	stream.indirect_vreg.gather [hbm:s2], $0x80, v0, vm0, $0x38;
	[tilespmem:$0x18080] =	vst v63  }
.LBB2_6:
0x29: {  	[tilespmem:s16], [sflag:$0x1] =	stream.indirect_vreg.gather [hbm:s2], $0x80, v0, vm1, $0x38;
	[tilespmem:$0x18080] =	vst v63  }
0x2a: {  	v0 =	vmov v1;
	p0 =	sne.s32 s15, $0xFFFFF000  }
.Ltmp4:
0x2b: {  	s16 =	sshra.s32 s15, $0x2;
	(pc) =	sbr.rel @p0 .LBB2_6-.Ltmp4, $4  }
0x2c: {  	s15 =	sadd.s32 $0x1000, s15;
	s16 =	sadd.s32 s16, s14  }
0x2d: {  	s17 =	sadd.s32 $0xD800, s16  }
0x2e: {  	[tilespmem:s17], [sflag:$0x1] =	stream.indirect_vreg.gather [hbm:s2], $0x80, v1, vm0, $0x38;
	[tilespmem:$0x18080] =	vst v63  }
0x2f: {  	s16 =	sadd.s32 $0xF000, s16;
	v1 =	vadd.s32 $0x80, v1  }
0x30: {  	s13 =	sadd.s32 $0x1, s13  }
0x31: {  	p0 =	sne.s32 s13, $0x4  }
.Ltmp5:
0x32: {  	_ = 	snop;
	(pc) =	sbr.rel @p0 .LBB2_5-.Ltmp5, $3  }
0x33: {  	_ =	sdelay $0x1  }
0x34: {  	[tilespmem:s16], [sflag:$0x1] =	stream.indirect_vreg.gather [hbm:s2], $0x80, v0, vm1, $0x38;
	[tilespmem:$0x18080] =	vst v63  }
0x35: {  	s14 =	sadd.s32 $0x3000, s14  }
0x36: {  	s13 =	sshrl.u32 s12, $0x3  }
0x37: {  	s13 =	smul.u32 $0x300, s13  }
0x38: {  	_ =	swait.ge [sflag:s4], $0xC000;
	s31 =	sshll.u32 s12, $0x4  }
0x39: {  	s14 =	simm.s32 $0x300;
	s12 =	sand.u32 $0x70, s31;
	s13 =	sadd.s32 s13, s7  }
0x3a: {  	s15 =	simm.s32 $0xD880;
	[sflag:s4] =	ssyncset.done $0x0;
	s12 =	sadd.s32 s12, s13  }
0x3b: {  	[sflag:s4] =	ssyncadd.s32 $0xFFFF4000;
	s13 =	simm.s32 $0xC080;
	s16 =	sadd.s32 $0x0, s12  }
.LBB2_9:
0x3c: {  	[hbm:s16] =	stream.linear.scatter [tilespmem:s13], [sflag:$0x3], $0x1800, $0x38;
	[tilespmem:$0x18080] =	vst v63  }
0x3d: {  	s16 =	smov.u32 s14;
	s13 =	smov.u32 s15;
	p0 =	sne.s32 s14, $0x1500  }
.Ltmp6:
0x3e: {  	s14 =	sadd.s32 $0x300, s14;
	(pc) =	sbr.rel @p0 .LBB2_9-.Ltmp6, $2  }
0x3f: {  	_ =	sdelay $0x2  }
0x40: {  	s15 =	sadd.s32 $0x1800, s15;
	s16 =	sadd.s32 s16, s12  }
.Ltmp7:
0x41: {  	(pc) =	sbr.rel .LBB2_11-.Ltmp7, $2  }
0x42: {  	_ =	sdelay $0x2  }
0x43: {  	[hbm:s16] =	stream.linear.scatter [tilespmem:s13], [sflag:$0x3], $0x1800, $0x38;
	[tilespmem:$0x18080] =	vst v63  }
.LBB2_2:
.Ltmp8:
0x44: {  	(pc) =	sbr.rel .LBB2_12-.Ltmp8, $4  }
0x45: {  	_ = 	snop  }
0x46: {  	s12 =	sshrl.u32 s11, $0x3  }
0x47: {  	s13 =	sand.u32 $0x7, s11;
	s12 =	sadd.s32 s3, s12  }
0x48: {  	[tilespmem:s9], [sflag:$0x2] =	stream.linear.gather [hbm4b:s12+s13], $0x40, $0x38;
	[tilespmem:$0x18080] =	vst v63  }
.LBB2_13:
0x49: {  	s2 =	simm.s32 $0x3  }
0x4a: {  	_ =	swait.ge [sflag:s2], $0xC000  }
0x4b: {  	[sflag:s2] =	ssyncset.done $0x0  }
0x4c: {  	[sflag:s2] =	ssyncadd.s32 $0xFFFF4000  }
0x4d: {  	_ =	sfence.sel $0x180000  }
0x4e: {  	s3 =	simm.s32 $0x2;
	[bflag:$0x0] =	sbarrier.arrive $0xFFFF  }
0x4f: {  	[sflag:s3] =	ssyncpa.u1 $0x1  }
0x50: {  	s31 =	simm.s32 $0x1;
	[sflag:s2] =	ssyncpa.u1 $0x1  }
0x51: {  	[sflag:s31] =	ssyncpa.u1 $0x1  }
0x52: {  	p0 =	sne.s32 s1, $0x0;
	_ =	strace $0x9000004D  }
0x53: {  	s0 =	sadd.s32 @!p0 $0x100000, s0;
	[bflag:$0x2] =	sbarrier.arrive $0xFFFF  }
0x54: {  	[sflag:s0] =	ssyncadd.tile.s32 @!p0 $0x1;
	_ =	shalt  }
.Lfunc_end2:
_tile_overlayer_lowered:
.L_overlay_start_2:
0x55: {  	(tag) =	ssettag $0x2  }
0x56: {  	s0 =	rddreg [dreg:$0x0];
	s2 =	stileid.u32  }
0x57: {  	s1 =	rddreg [dreg:$0x1];
	p0 =	sne.s32 s2, $0x0  }
0x58: {  	s3 =	rddreg [dreg:$0x2];
	[bflag:$0x3] =	sbarrier.arrive $0xFFFF;
	s2 =	simm.s32 @!p0 $0x1C01  }
0x59: {  	[timem:s3], [sflag:s2] =	dma.local @!p0 [hbm:s0], s1  }
0x5a: {  	s0 =	simm.s32 @!p0 $0x1  }
0x5b: {  	_ =	swait.ge @!p0 [sflag:s0], s1  }
0x5c: {  	s1 =	ssub.s32 @!p0 $0x0, s1;
	[sflag:s0] =	ssyncset.done @!p0 $0x0  }
0x5d: {  	[sflag:s0] =	ssyncadd.s32 @!p0 s1  }
0x5e: {  	[bflag:$0x3] =	sbarrier.arrive $0xFFFF  }
0x5f: {  	_ =	shalt  }

// kernel: gather_offload_async_start.3
scs
__scs_entry_jumppad:
0x0: {  	(pc) =	sbr.rel $0x88, $3  }
0x1: {  	(tag) =	ssettag $0x0;
	lr =	simm.s32 $0x1  }
0x2: {  	[smem:$0x3F96] =	sst lr;
	_ =	strace $0xD0000000  }
0x3: {  	_ = 	snop  }
0x4: {  	_ = 	snop  }
0x5: {  	_ = 	snop  }
0x6: {  	_ = 	snop  }
0x7: {  	_ = 	snop  }
__scs_overlays_trampoline_lowered:
0x8: {  	[smem:$0x3FA5] =	sst s0  }
0x9: {  	[smem:$0x3FA6] =	sst s1  }
0xa: {  	[smem:$0x3FA7] =	sst s2  }
0xb: {  	[smem:$0x3FA8] =	sst s3  }
0xc: {  	[smem:$0x3FA9] =	sst s4  }
0xd: {  	[smem:$0x3FAA] =	sst s5  }
0xe: {  	[smem:$0x3FAB] =	sst s6  }
0xf: {  	[smem:$0x3FAC] =	sst s7  }
0x10: {  	[smem:$0x3FAD] =	sst s8  }
0x11: {  	[smem:$0x3FAE] =	sst s9;
	s0 =	simm.s32 @!p0 $0x0  }
0x12: {  	s1 =	sld [smem:$0x3F94];
	s0 =	simm.s32 @p0 $0x1  }
0x13: {  	[smem:$0x3FAF] =	sst s0;
	s0 =	simm.s32 @!p1 $0x0  }
0x14: {  	s2 =	sld [smem:$0x3F93];
	s0 =	simm.s32 @p1 $0x1  }
0x15: {  	[smem:$0x3FB0] =	sst s0;
	s0 =	simm.s32 @!p2 $0x0  }
0x16: {  	s3 =	sld [smem:$0x3FDB];
	s0 =	simm.s32 @p2 $0x1  }
0x17: {  	s4 =	simm.s32 $0x1BF5;
	[smem:$0x3FB2] =	sst s0  }
0x18: {  	s0 =	sld [smem:$0x3F95];
	_ =	swait.ge [sflag:s4], $0x0  }
0x19: {  	s7 =	sld [smem:$0x3F96]  }
0x1a: {  	s8 =	sadd.s32 $0xFFFFE003, lr  }
0x1b: {  	s9 =	sadd.s32 $0xFFFFFEF7, lr;
	s5 =	simm.s32 $0xFFFFFFFF;
	p2 =	slt.u32 s8, $0xFFFFF086  }
0x1c: {  	p1 =	slt.u32 s9, $0xF7A;
	s5 =	simm.s32 @!p2 $0x0  }
0x1d: {  	s5 =	simm.s32 @p1 $0x1;
	p0 =	seq.s32 s7, s2  }
0x1e: {  	s7 =	smul.u32 @!p0 $0xF7A, s2;
	p2 =	seq.s32 @!p0 s5, $0x0  }
0x1f: {  	s9 =	smul.u32 $0xF7A, s1;
	s8 =	simm.s32 @!p0 $0x1BF5;
	p2 =	por !p2, p0  }
0x20: {  	[sflag:s8] =	ssyncset.s32 @!p0 $0xFFFFF086;
	s6 =	sadd.s32 @!p0 s3, s7;
	s7 =	simm.s32 @!p0 $0x108  }
0x21: {  	s3 =	sadd.s32 s3, s9;
	s6 =	sadd.s32 @!p0 $0x88, s6;
	s7 =	simm.s32 @p2 $0x1082  }
0x22: {  	[simem:s7], [sflag:s8] =	dma.local @!p0 [hbm:s6], $0xF7A  }
0x23: {  	s9 =	sor.u32 $0xD0000000, s2;
	s6 =	simm.s32 $0x108;
	_ =	swait.ge @!p0 [sflag:s8], $0x0  }
0x24: {  	s3 =	sadd.s32 $0x88, s3;
	s6 =	simm.s32 @!p1 $0x1082;
	[sflag:s4] =	ssyncset.s32 $0xFFFFF086  }
0x25: {  	[simem:s6], [sflag:s4] =	dma.local [hbm:s3], $0xF7A  }
0x26: {  	[smem:$0x3F96] =	sst s1;
	(tag) =	ssettag s2;
	_ =	strace s9  }
0x27: {  	s1 =	sld [smem:$0x3FA6]  }
0x28: {  	s2 =	sld [smem:$0x3FA7]  }
0x29: {  	s4 =	sld [smem:$0x3FA9]  }
0x2a: {  	p0 =	seq.s32 s5, $0x0;
	s5 =	sld [smem:$0x3FAA]  }
0x2b: {  	s6 =	sld [smem:$0x3FAB]  }
0x2c: {  	s7 =	sld [smem:$0x3FAC]  }
0x2d: {  	s3 =	simm.s32 $0x108;
	s8 =	sld [smem:$0x3FAD]  }
0x2e: {  	s3 =	simm.s32 @!p0 $0x1082;
	s9 =	sld [smem:$0x3FAE]  }
0x2f: {  	lr =	sadd.s32 s0, s3;
	s0 =	sld [smem:$0x3FA5]  }
0x30: {  	s3 =	sld [smem:$0x3FA8]  }
0x31: {  	[smem:$0x3FB1] =	sst s10  }
0x32: {  	s10 =	sld [smem:$0x3FAF];
	_ =	sdelay $0x3  }
0x33: {  	p0 =	seq.s32 s10, $0x1;
	s10 =	sld [smem:$0x3FB1];
	_ =	sdelay $0x3  }
0x34: {  	[smem:$0x3FB1] =	sst s10  }
0x35: {  	s10 =	sld [smem:$0x3FB0];
	_ =	sdelay $0x3  }
0x36: {  	p1 =	seq.s32 s10, $0x1;
	s10 =	sld [smem:$0x3FB1];
	_ =	sdelay $0x3  }
0x37: {  	[smem:$0x3FB1] =	sst s10  }
0x38: {  	s10 =	sld [smem:$0x3FB2]  }
0x39: {  	_ = 	snop;
	(pc) =	sbr.ind lr, $3  }
0x3a: {  	_ = 	snop  }
0x3b: {  	_ = 	snop  }
0x3c: {  	p2 =	seq.s32 s10, $0x1;
	s10 =	sld [smem:$0x3FB1]  }
0x3d: {  	_ =	shalt  }
0x3e: {  	_ =	shalt  }
0x3f: {  	_ =	shalt  }
0x40: {  	_ =	shalt  }
0x41: {  	_ =	shalt  }
0x42: {  	_ =	shalt  }
0x43: {  	_ =	shalt  }
0x44: {  	_ =	shalt  }
0x45: {  	_ =	shalt  }
0x46: {  	_ =	shalt  }
0x47: {  	_ =	shalt  }
0x48: {  	_ =	shalt  }
0x49: {  	_ =	shalt  }
0x4a: {  	_ =	shalt  }
0x4b: {  	_ =	shalt  }
0x4c: {  	_ =	shalt  }
0x4d: {  	_ =	shalt  }
0x4e: {  	_ =	shalt  }
0x4f: {  	_ =	shalt  }
0x50: {  	_ =	shalt  }
0x51: {  	_ =	shalt  }
0x52: {  	_ =	shalt  }
0x53: {  	_ =	shalt  }
0x54: {  	_ =	shalt  }
0x55: {  	_ =	shalt  }
0x56: {  	_ =	shalt  }
0x57: {  	_ =	shalt  }
0x58: {  	_ =	shalt  }
0x59: {  	_ =	shalt  }
0x5a: {  	_ =	shalt  }
0x5b: {  	_ =	shalt  }
0x5c: {  	_ =	shalt  }
0x5d: {  	_ =	shalt  }
0x5e: {  	_ =	shalt  }
0x5f: {  	_ =	shalt  }
0x60: {  	_ =	shalt  }
0x61: {  	_ =	shalt  }
0x62: {  	_ =	shalt  }
0x63: {  	_ =	shalt  }
0x64: {  	_ =	shalt  }
0x65: {  	_ =	shalt  }
0x66: {  	_ =	shalt  }
0x67: {  	_ =	shalt  }
0x68: {  	_ =	shalt  }
0x69: {  	_ =	shalt  }
0x6a: {  	_ =	shalt  }
0x6b: {  	_ =	shalt  }
0x6c: {  	_ =	shalt  }
0x6d: {  	_ =	shalt  }
0x6e: {  	_ =	shalt  }
0x6f: {  	_ =	shalt  }
0x70: {  	_ =	shalt  }
0x71: {  	_ =	shalt  }
0x72: {  	_ =	shalt  }
0x73: {  	_ =	shalt  }
0x74: {  	_ =	shalt  }
0x75: {  	_ =	shalt  }
0x76: {  	_ =	shalt  }
0x77: {  	_ =	shalt  }
0x78: {  	_ =	shalt  }
0x79: {  	_ =	shalt  }
0x7a: {  	_ =	shalt  }
0x7b: {  	_ =	shalt  }
0x7c: {  	_ =	shalt  }
0x7d: {  	_ =	shalt  }
0x7e: {  	_ =	shalt  }
0x7f: {  	_ =	shalt  }
0x80: {  	_ =	shalt  }
0x81: {  	_ =	shalt  }
0x82: {  	_ =	shalt  }
0x83: {  	_ =	shalt  }
0x84: {  	_ =	shalt  }
0x85: {  	_ =	shalt  }
0x86: {  	_ =	shalt  }
0x87: {  	_ =	shalt  }
.Lfunc_end0:
.L_simem_size_0:
called_computation.3_lowered:
.L_overlay_start_0:
0x88: {  	s2 =	sld [smem:$0x3FD9]  }
0x89: {  	s3 =	sld [smem:$0x3FFE];
	_ =	sdelay $0x1  }
0x8a: {  	s1 =	srdreg.scid  }
0x8b: {  	s0 =	sand.u32 $0x1, s1  }
0x8c: {  	s16 =	sshll.u32 s0, $0xA;
	s2 =	sadd.s32 s3, s2  }
0x8d: {  	s2 =	sadd.s32 s2, s16  }
0x8e: {  	[smem:$0x3FBD] =	sst s2  }
0x8f: {  	_ = 	snop  }
0x90: {  	(tm) =	ssettm $0x1  }
0x91: {  	s17 =	sld [smem:$0x3FFB];
	_ =	sdelay $0x3  }
0x92: {  	_ =	strace s17  }
0x93: {  	s2 =	sld [smem:$0x3FFC];
	_ =	sdelay $0x3  }
0x94: {  	_ =	strace s2  }
0x95: {  	s2 =	sld [smem:$0x3FFD];
	_ =	sdelay $0x3  }
0x96: {  	_ =	strace s2  }
0x97: {  	_ =	strace $0x8FFFFFFF  }
0x98: {  	s18 =	sld [smem:$0x3FDB];
	_ =	sdelay $0x1  }
0x99: {  	s19 =	simm.s32 $_scs_section_size  }
0x9a: {  	s4 =	simm.s32 $_size__tile_overlayer_lowered;
	s5 =	simm.s32 $_tile_overlayer_lowered  }
0x9b: {  	s22 =	simm.s32 $0x1BFF;
	s21 =	sshll.u32 s5, $0x1;
	s2 =	sadd.s32 s19, s18  }
0x9c: {  	s6 =	simm.s32 $0x0;
	s20 =	sshll.u32 s4, $0x1;
	s4 =	sadd.s32 s21, s2  }
0x9d: {  	[timem:s6], [sflag:s22] =	dma.local [hbm:s4], s20  }
0x9e: {  	_ =	swait.ge [sflag:s22], s20  }
0x9f: {  	s3 =	ssub.s32 $0x0, s20;
	[sflag:s22] =	ssyncset.done $0x0  }
0xa0: {  	[sflag:s22] =	ssyncadd.s32 s3;
	_ =	sdelay $0x1  }
0xa1: {  	s23 =	simm.s32 $0x1B8B  }
0xa2: {  	_ =	swait.ge [sflag:s23], $0x1  }
0xa3: {  	[sflag:s23] =	ssyncset.done $0x0  }
0xa4: {  	s25 =	simm.s32 $0x1B8E;
	s24 =	sld [smem:$0x3FFE];
	[sflag:s23] =	ssyncadd.s32 $0xFFFFFFFF  }
0xa5: {  	s26 =	simm.s32 $execute0_lowered;
	[smem:$0x3FD2] =	sst s25  }
0xa6: {  	s4 =	sshll.u32 s26, $0x1;
	_ =	strace $0x80000046;
	[dreg:$0x1] =	wrdreg $0xFFFFFFFF  }
0xa7: {  	s28 =	simm.s32 $_size_execute0_lowered;
	s2 =	sadd.s32 s2, s4;
	[dreg:$0x0] =	wrdreg $0x0  }
0xa8: {  	s4 =	sshll.u32 s28, $0x1;
	[dreg:$0x2] =	wrdreg s2  }
0xa9: {  	[dreg:$0x3] =	wrdreg s4  }
0xaa: {  	[dreg:$0x4] =	wrdreg $0xC0  }
0xab: {  	_ =	task [dreg:s6], $0x5FFFF  }
0xac: {  	[dreg:$0x1] =	wrdreg $0xFFFFFFFF  }
0xad: {  	[dreg:$0x0] =	wrdreg $0x60  }
0xae: {  	[dreg:$0x2] =	wrdreg s24  }
0xaf: {  	[dreg:$0x3] =	wrdreg $0x9  }
0xb0: {  	_ =	task.clear_ibuf [dreg:s6], $0x4FFFF;
	_ =	strace $0x90000046  }
0xb1: {  	s29 =	simm.s32 $0x9;
	_ =	strace $0x80000048  }
0xb2: {  	_ =	swait.ge [sflag:s29], $0x1  }
0xb3: {  	[sflag:s29] =	ssyncadd.s32 $0xFFFFFFFF  }
0xb4: {  	_ =	strace $0x90000048  }
0xb5: {  	_ =	sfence  }
0xb6: {  	s30 =	sld [smem:$0x0];
	_ =	sdelay $0x2  }
0xb7: {  	s31 =	sshll.u32 s1, $0xD;
	s1 =	sshrl.u32 s1, $0x2  }
0xb8: {  	s3 =	sand.u32 $0x4000, s31;
	s1 =	sadd.s32 s1, s30  }
0xb9: {  	s0 =	sor.u32 s3, s0;
	s1 =	sshll.u32 s1, $0x11  }
0xba: {  	s0 =	sor.u32 s1, s0  }
0xbb: {  	s0 =	sadd.s32 $0x8F2B, s0  }
0xbc: {  	[sflag:s0] =	ssyncadd.remote.s32 $0x1  }
0xbd: {  	_ =	sfence.sel $0xFFFF  }
0xbe: {  	[dreg:$0x0] =	wrdreg $0xFFFFFFFF;
	(pc) =	sbr.abs _section_cstart, $3  }
0xbf: {  	[dreg:$0x1] =	wrdreg $0xFFFFFFFF  }
0xc0: {  	_ =	task.clear_ibuf [dreg:s6], $0x2FFFF;
	_ =	strace $0x9FFFFFFF  }
0xc1: {  	(tm) =	ssettm $0x7FFFFFFF  }
tec
execute0_lowered:
.L_overlay_start_1:
0x0: {  	(tag) =	ssettag $0x1  }
0x1: {  	s0 =	srdreg.scid;
	s5 =	rddreg [dreg:$0x0]  }
0x2: {  	s1 =	stileid.u32;
	s6 =	simm.s32 $0x1;
	s9 =	simm.s32 $0x1  }
0x3: {  	s10 =	simm.s32 $0x3;
	s13 =	simm.s32 $0x0;
	s2 =	sshll.u32 s0, $0x6  }
0x4: {  	s12 =	simm.s32 $0x0;
	s3 =	sshll.u32 s1, $0x7;
	s2 =	sand.u32 $0x40, s2  }
0x5: {  	s0 =	rddreg [dreg:$0x1];
	_ =	strace $0x80000047;
	s2 =	sor.u32 s3, s2  }
0x6: {  	s4 =	sadd.s32 $0x1E00, s5;
	[sflag:s6] =	ssyncpa.u1 $0x0;
	s8 =	ssub.s32 $0x1000, s2  }
.Ltmp0:
0x7: {  	s3 =	sadd.s32 $0x2C00, s5;
	s7 =	sand.u32 $0x7C0, s8;
	(pc) =	sbr.rel .LBB2_1-.Ltmp0, $4  }
0x8: {  	s5 =	sadd.s32 $0x1400, s5;
	s11 =	smov.u32 s2;
	p0 =	sne.s32 s7, $0x0  }
0x9: {  	s8 =	sshrl.u32 s8, $0xB;
	s7 =	simm.s32 $0x2;
	s9 =	simm.s32 @!p0 $0x0  }
0xa: {  	[sflag:s7] =	ssyncpa.u1 $0x0;
	p0 =	por $0x0, $0x0;
	s8 =	sadd.s32 s9, s8  }
0xb: {  	vm0 =	vmmov $0xffff;
	[sflag:s10] =	ssyncpa.u1 $0x0;
	s10 =	simm.s32 $0x0;
	s9 =	sadd.s32 $0x1, s8  }
.LBB2_4:
0xc: {  	v1 =	vsel vm1, $0xFFFFFFFF, v1;
	v2 =	vand.u32 $0x7, v2  }
0xd: {  	v2 =	vsel vm1, $0xFFFFFFFF, v2;
	v3 =	vshll.u32 v1, $0x3  }
0xe: {  	v4 =	vand.u32 $0xFFFF8000, v2;
	v3 =	vand.u32 $0xFFFFFC00, v3;
	v2 =	vshll.u32 v2, $0x7  }
0xf: {  	v3 =	vadd.s32 v3, v4;
	v2 =	vand.u32 $0x380, v2  }
0x10: {  	v1 =	vand.u32 $0x7F, v1;
	v2 =	vor.u32 v2, v3  }
0x11: {  	v1 =	vor.u32 v1, v2;
	_ =	sdelay $0x1  }
0x12: {  	(ifvalue) =	ssetifvalue $0x7FFFFFFF;
	s15 =	sadd.s32 $0x10, s15  }
0x13: {  	[tilespmem:s15], [sflag:$0x1] =	stream.indirect_vreg.gather [hbm4b:s3+s10], $0x1, v0, vm0, $0x4038;
	[tilespmem:$0x100] =	vst v63  }
0x14: {  	(ifvalue) =	ssetifvalue $0x7FFFFFFF;
	s15 =	sadd.s32 $0x10, s15  }
0x15: {  	[tilespmem:s15], [sflag:$0x1] =	stream.indirect_vreg.gather [hbm4b:s3+s10], $0x1, v1, vm0, $0x4038;
	[tilespmem:$0x100] =	vst v63  }
0x16: {  	_ =	swait.ge [sflag:s6], $0x40  }
0x17: {  	s30 =	sshrl.u32 s13, $0x3;
	[sflag:s6] =	ssyncset.done $0x0  }
0x18: {  	s31 =	sand.u32 $0x7, s13;
	s15 =	sadd.s32 s5, s30;
	[sflag:s6] =	ssyncadd.s32 $0xFFFFFFC0  }
0x19: {  	[hbm4b:s15+s31] =	stream.linear.scatter [tilespmem:s14], [sflag:$0x3], $0x40, $0x38;
	[tilespmem:$0x100] =	vst v63  }
.LBB2_5:
0x1a: {  	s15 =	sadd.s32 $0x800, s11  }
0x1b: {  	p2 =	sgt.s32 s15, $0xFFF  }
0x1c: {  	s15 =	smov.u32 @p2 s2;
	p2 =	sne.s32 s12, s9  }
.Ltmp1:
0x1d: {  	p1 =	slt.u32 s12, $0x2;
	(pc) =	sbr.rel @!p2 .LBB2_6-.Ltmp1, $4  }
0x1e: {  	s14 =	simm.s32 @!p1 $0x3  }
0x1f: {  	s16 =	sadd.s32 $0x1, s12;
	_ =	swait.ge @!p1 [sflag:s14], $0x40  }
0x20: {  	s13 =	smov.u32 s11;
	p0 =	por !p0, !p0;
	[sflag:s14] =	ssyncset.done @!p1 $0x0  }
0x21: {  	s12 =	smov.u32 s16;
	s11 =	smov.u32 s15;
	[sflag:s14] =	ssyncadd.s32 @!p1 $0xFFFFFFC0  }
.LBB2_1:
0x22: {  	p1 =	sge.u32 s12, s8  }
0x23: {  	s14 =	sxor.u32 @!p1 $0xFFFFFFFF, s12  }
0x24: {  	s31 =	sadd.s32 $0xFFFFFFFF, s12;
	s15 =	sshrl.u32 @!p1 s11, $0x3;
	s14 =	sshll.u32 @!p1 s14, $0x6  }
0x25: {  	s16 =	sand.u32 @!p1 $0x7, s11;
	s15 =	sadd.s32 @!p1 s4, s15;
	s14 =	sand.u32 @!p1 $0x40, s14  }
0x26: {  	[tilespmem:s14], [sflag:$0x2] =	stream.linear.gather @!p1 [hbm4b:s15+s16], $0x40, $0x38;
	[tilespmem:$0x100] =	vst v63  }
0x27: {  	p1 =	sge.u32 s31, s8  }
.Ltmp2:
0x28: {  	_ = 	snop;
	(pc) =	sbr.rel @p1 .LBB2_5-.Ltmp2, $1  }
0x29: {  	_ =	sdelay $0x3  }
0x2a: {  	s14 =	simm.s32 $0x1  }
0x2b: {  	_ =	swait.ge [sflag:s7], $0x40;
	s14 =	simm.s32 @!p0 $0x0  }
0x2c: {  	[sflag:s7] =	ssyncset.done $0x0;
	s14 =	sshll.u32 s14, $0x6  }
0x2d: {  	[sflag:s7] =	ssyncadd.s32 $0xFFFFFFC0;
	(ifvalue) =	ssetifvalue $0x7FFFFFFF;
	v0 =	vld.msk [tilespmem:s14+$0x0 ss:$0x1], $0xffff;
	_ =	sdelay $0x3  }
0x2e: {  	s15 =	sadd.s32 $0x10, s14  }
0x2f: {  	v2 =	vld.msk [tilespmem:s15+$0x0 ss:$0x1], $0xffff;
	vm1 =	veq.s32 v0, $0x80000000;
	v1 =	vand.u32 $0xFFF, v0;
	v0 =	vshrl.u32 v0, $0xC  }
0x30: {  	v1 =	vsel vm1, $0xFFFFFFFF, v1;
	v0 =	vand.u32 $0x7, v0  }
0x31: {  	v0 =	vsel vm1, $0xFFFFFFFF, v0;
	v3 =	vshll.u32 v1, $0x3  }
0x32: {  	v4 =	vand.u32 $0xFFFF8000, v0;
	v3 =	vand.u32 $0xFFFFFC00, v3;
	v0 =	vshll.u32 v0, $0x7  }
0x33: {  	v3 =	vadd.s32 v3, v4;
	v0 =	vand.u32 $0x380, v0  }
0x34: {  	v1 =	vand.u32 $0x7F, v1;
	vm1 =	veq.s32 v2, $0x80000000;
	v0 =	vor.u32 v0, v3  }
0x35: {  	v0 =	vor.u32 v1, v0;
	v1 =	vand.u32 $0xFFF, v2;
	v2 =	vshrl.u32 v2, $0xC  }
0x36: {  	s17 =	sadd.s32 $0x10, s15;
	v1 =	vsel vm1, $0xFFFFFFFF, v1;
	v2 =	vand.u32 $0x7, v2  }
0x37: {  	v3 =	vld.msk [tilespmem:s17+$0x0 ss:$0x1], $0xffff;
	v2 =	vsel vm1, $0xFFFFFFFF, v2;
	v63 =	vshll.u32 v1, $0x3  }
0x38: {  	v5 =	vand.u32 $0xFFFF8000, v2;
	v4 =	vand.u32 $0xFFFFFC00, v63;
	v2 =	vshll.u32 v2, $0x7  }
0x39: {  	s31 =	sshll.u32 s12, $0x6;
	s15 =	sor.u32 $0x80, s14;
	(ifvalue) =	ssetifvalue $0x7FFFFFFF;
	v4 =	vadd.s32 v4, v5;
	v2 =	vand.u32 $0x380, v2  }
0x3a: {  	[tilespmem:s15], [sflag:$0x1] =	stream.indirect_vreg.gather [hbm4b:s3+s10], $0x1, v0, vm0, $0x4038;
	v0 =	vand.u32 $0x7F, v1;
	v1 =	vor.u32 v2, v4;
	[tilespmem:$0x100] =	vst v63  }
0x3b: {  	s14 =	sand.u32 $0x40, s31;
	v0 =	vor.u32 v0, v1  }
0x3c: {  	s16 =	simm.s32 $0x20;
	s14 =	sor.u32 $0x80, s14;
	s17 =	sadd.s32 $0x10, s17;
	vm1 =	veq.s32 v3, $0x80000000;
	v2 =	vshrl.u32 v3, $0xC;
	v1 =	vand.u32 $0xFFF, v3  }
.LBB2_3:
0x3d: {  	v3 =	vld.msk [tilespmem:s17+$0x0 ss:$0x1], $0xffff;
	s16 =	sadd.s32 $0x10, s16;
	v1 =	vsel vm1, $0xFFFFFFFF, v1;
	v2 =	vand.u32 $0x7, v2  }
0x3e: {  	p1 =	slt.u32 s16, $0x30;
	v2 =	vsel vm1, $0xFFFFFFFF, v2;
	v4 =	vshll.u32 v1, $0x3  }
.Ltmp3:
0x3f: {  	s15 =	sadd.s32 $0x10, s15;
	v5 =	vand.u32 $0xFFFF8000, v2;
	v4 =	vand.u32 $0xFFFFFC00, v4;
	v2 =	vshll.u32 v2, $0x7;
	(ifvalue) =	ssetifvalue $0x7FFFFFFF;
	(pc) =	sbr.rel @p1 .LBB2_3-.Ltmp3, $4  }
0x40: {  	v4 =	vadd.s32 v4, v5;
	v2 =	vand.u32 $0x380, v2;
	[tilespmem:s15], [sflag:$0x1] =	stream.indirect_vreg.gather [hbm4b:s3+s10], $0x1, v0, vm0, $0x4038;
	[tilespmem:$0x100] =	vst v63  }
0x41: {  	v0 =	vand.u32 $0x7F, v1;
	v1 =	vor.u32 v2, v4  }
0x42: {  	v0 =	vor.u32 v0, v1  }
0x43: {  	s17 =	sadd.s32 $0x10, s17;
	vm1 =	veq.s32 v3, $0x80000000;
	v1 =	vand.u32 $0xFFF, v3;
	v2 =	vshrl.u32 v3, $0xC  }
.Ltmp4:
0x44: {  	_ = 	snop;
	(pc) =	sbr.rel .LBB2_4-.Ltmp4, $1  }
0x45: {  	_ =	sdelay $0x3  }
.LBB2_6:
0x46: {  	_ =	sfence.sel $0x180000  }
0x47: {  	s2 =	simm.s32 $0x2;
	[bflag:$0x0] =	sbarrier.arrive $0xFFFF  }
0x48: {  	s30 =	simm.s32 $0x3;
	[sflag:s2] =	ssyncpa.u1 $0x1  }
0x49: {  	s31 =	simm.s32 $0x1;
	[sflag:s30] =	ssyncpa.u1 $0x1  }
0x4a: {  	[sflag:s31] =	ssyncpa.u1 $0x1  }
0x4b: {  	p0 =	sne.s32 s1, $0x0;
	_ =	strace $0x90000047  }
0x4c: {  	s0 =	sadd.s32 @!p0 $0x100000, s0;
	[bflag:$0x2] =	sbarrier.arrive $0xFFFF  }
0x4d: {  	[sflag:s0] =	ssyncadd.tile.s32 @!p0 $0x1;
	_ =	shalt  }
.Lfunc_end2:
_tile_overlayer_lowered:
.L_overlay_start_2:
0x4e: {  	(tag) =	ssettag $0x2  }
0x4f: {  	s0 =	rddreg [dreg:$0x0];
	s2 =	stileid.u32  }
0x50: {  	s1 =	rddreg [dreg:$0x1];
	p0 =	sne.s32 s2, $0x0  }
0x51: {  	s3 =	rddreg [dreg:$0x2];
	[bflag:$0x3] =	sbarrier.arrive $0xFFFF;
	s2 =	simm.s32 @!p0 $0x1C01  }
0x52: {  	[timem:s3], [sflag:s2] =	dma.local @!p0 [hbm:s0], s1  }
0x53: {  	s0 =	simm.s32 @!p0 $0x1  }
0x54: {  	_ =	swait.ge @!p0 [sflag:s0], s1  }
0x55: {  	s1 =	ssub.s32 @!p0 $0x0, s1;
	[sflag:s0] =	ssyncset.done @!p0 $0x0  }
0x56: {  	[sflag:s0] =	ssyncadd.s32 @!p0 s1  }
0x57: {  	[bflag:$0x3] =	sbarrier.arrive $0xFFFF  }
0x58: {  	_ =	shalt  }

// kernel: gather_offload_async_start
scs
__scs_entry_jumppad:
0x0: {  	(pc) =	sbr.rel $0x88, $3  }
0x1: {  	(tag) =	ssettag $0x0;
	lr =	simm.s32 $0x1  }
0x2: {  	[smem:$0x3F96] =	sst lr;
	_ =	strace $0xD0000000  }
0x3: {  	_ = 	snop  }
0x4: {  	_ = 	snop  }
0x5: {  	_ = 	snop  }
0x6: {  	_ = 	snop  }
0x7: {  	_ = 	snop  }
__scs_overlays_trampoline_lowered:
0x8: {  	[smem:$0x3FA5] =	sst s0  }
0x9: {  	[smem:$0x3FA6] =	sst s1  }
0xa: {  	[smem:$0x3FA7] =	sst s2  }
0xb: {  	[smem:$0x3FA8] =	sst s3  }
0xc: {  	[smem:$0x3FA9] =	sst s4  }
0xd: {  	[smem:$0x3FAA] =	sst s5  }
0xe: {  	[smem:$0x3FAB] =	sst s6  }
0xf: {  	[smem:$0x3FAC] =	sst s7  }
0x10: {  	[smem:$0x3FAD] =	sst s8  }
0x11: {  	[smem:$0x3FAE] =	sst s9;
	s0 =	simm.s32 @!p0 $0x0  }
0x12: {  	s1 =	sld [smem:$0x3F94];
	s0 =	simm.s32 @p0 $0x1  }
0x13: {  	[smem:$0x3FAF] =	sst s0;
	s0 =	simm.s32 @!p1 $0x0  }
0x14: {  	s2 =	sld [smem:$0x3F93];
	s0 =	simm.s32 @p1 $0x1  }
0x15: {  	[smem:$0x3FB0] =	sst s0;
	s0 =	simm.s32 @!p2 $0x0  }
0x16: {  	s3 =	sld [smem:$0x3FDB];
	s0 =	simm.s32 @p2 $0x1  }
0x17: {  	s4 =	simm.s32 $0x1BF5;
	[smem:$0x3FB2] =	sst s0  }
0x18: {  	s0 =	sld [smem:$0x3F95];
	_ =	swait.ge [sflag:s4], $0x0  }
0x19: {  	s7 =	sld [smem:$0x3F96]  }
0x1a: {  	s8 =	sadd.s32 $0xFFFFE003, lr  }
0x1b: {  	s9 =	sadd.s32 $0xFFFFFEF7, lr;
	s5 =	simm.s32 $0xFFFFFFFF;
	p2 =	slt.u32 s8, $0xFFFFF086  }
0x1c: {  	p1 =	slt.u32 s9, $0xF7A;
	s5 =	simm.s32 @!p2 $0x0  }
0x1d: {  	s5 =	simm.s32 @p1 $0x1;
	p0 =	seq.s32 s7, s2  }
0x1e: {  	s7 =	smul.u32 @!p0 $0xF7A, s2;
	p2 =	seq.s32 @!p0 s5, $0x0  }
0x1f: {  	s9 =	smul.u32 $0xF7A, s1;
	s8 =	simm.s32 @!p0 $0x1BF5;
	p2 =	por !p2, p0  }
0x20: {  	[sflag:s8] =	ssyncset.s32 @!p0 $0xFFFFF086;
	s6 =	sadd.s32 @!p0 s3, s7;
	s7 =	simm.s32 @!p0 $0x108  }
0x21: {  	s3 =	sadd.s32 s3, s9;
	s6 =	sadd.s32 @!p0 $0x88, s6;
	s7 =	simm.s32 @p2 $0x1082  }
0x22: {  	[simem:s7], [sflag:s8] =	dma.local @!p0 [hbm:s6], $0xF7A  }
0x23: {  	s9 =	sor.u32 $0xD0000000, s2;
	s6 =	simm.s32 $0x108;
	_ =	swait.ge @!p0 [sflag:s8], $0x0  }
0x24: {  	s3 =	sadd.s32 $0x88, s3;
	s6 =	simm.s32 @!p1 $0x1082;
	[sflag:s4] =	ssyncset.s32 $0xFFFFF086  }
0x25: {  	[simem:s6], [sflag:s4] =	dma.local [hbm:s3], $0xF7A  }
0x26: {  	[smem:$0x3F96] =	sst s1;
	(tag) =	ssettag s2;
	_ =	strace s9  }
0x27: {  	s1 =	sld [smem:$0x3FA6]  }
0x28: {  	s2 =	sld [smem:$0x3FA7]  }
0x29: {  	s4 =	sld [smem:$0x3FA9]  }
0x2a: {  	p0 =	seq.s32 s5, $0x0;
	s5 =	sld [smem:$0x3FAA]  }
0x2b: {  	s6 =	sld [smem:$0x3FAB]  }
0x2c: {  	s7 =	sld [smem:$0x3FAC]  }
0x2d: {  	s3 =	simm.s32 $0x108;
	s8 =	sld [smem:$0x3FAD]  }
0x2e: {  	s3 =	simm.s32 @!p0 $0x1082;
	s9 =	sld [smem:$0x3FAE]  }
0x2f: {  	lr =	sadd.s32 s0, s3;
	s0 =	sld [smem:$0x3FA5]  }
0x30: {  	s3 =	sld [smem:$0x3FA8]  }
0x31: {  	[smem:$0x3FB1] =	sst s10  }
0x32: {  	s10 =	sld [smem:$0x3FAF];
	_ =	sdelay $0x3  }
0x33: {  	p0 =	seq.s32 s10, $0x1;
	s10 =	sld [smem:$0x3FB1];
	_ =	sdelay $0x3  }
0x34: {  	[smem:$0x3FB1] =	sst s10  }
0x35: {  	s10 =	sld [smem:$0x3FB0];
	_ =	sdelay $0x3  }
0x36: {  	p1 =	seq.s32 s10, $0x1;
	s10 =	sld [smem:$0x3FB1];
	_ =	sdelay $0x3  }
0x37: {  	[smem:$0x3FB1] =	sst s10  }
0x38: {  	s10 =	sld [smem:$0x3FB2]  }
0x39: {  	_ = 	snop;
	(pc) =	sbr.ind lr, $3  }
0x3a: {  	_ = 	snop  }
0x3b: {  	_ = 	snop  }
0x3c: {  	p2 =	seq.s32 s10, $0x1;
	s10 =	sld [smem:$0x3FB1]  }
0x3d: {  	_ =	shalt  }
0x3e: {  	_ =	shalt  }
0x3f: {  	_ =	shalt  }
0x40: {  	_ =	shalt  }
0x41: {  	_ =	shalt  }
0x42: {  	_ =	shalt  }
0x43: {  	_ =	shalt  }
0x44: {  	_ =	shalt  }
0x45: {  	_ =	shalt  }
0x46: {  	_ =	shalt  }
0x47: {  	_ =	shalt  }
0x48: {  	_ =	shalt  }
0x49: {  	_ =	shalt  }
0x4a: {  	_ =	shalt  }
0x4b: {  	_ =	shalt  }
0x4c: {  	_ =	shalt  }
0x4d: {  	_ =	shalt  }
0x4e: {  	_ =	shalt  }
0x4f: {  	_ =	shalt  }
0x50: {  	_ =	shalt  }
0x51: {  	_ =	shalt  }
0x52: {  	_ =	shalt  }
0x53: {  	_ =	shalt  }
0x54: {  	_ =	shalt  }
0x55: {  	_ =	shalt  }
0x56: {  	_ =	shalt  }
0x57: {  	_ =	shalt  }
0x58: {  	_ =	shalt  }
0x59: {  	_ =	shalt  }
0x5a: {  	_ =	shalt  }
0x5b: {  	_ =	shalt  }
0x5c: {  	_ =	shalt  }
0x5d: {  	_ =	shalt  }
0x5e: {  	_ =	shalt  }
0x5f: {  	_ =	shalt  }
0x60: {  	_ =	shalt  }
0x61: {  	_ =	shalt  }
0x62: {  	_ =	shalt  }
0x63: {  	_ =	shalt  }
0x64: {  	_ =	shalt  }
0x65: {  	_ =	shalt  }
0x66: {  	_ =	shalt  }
0x67: {  	_ =	shalt  }
0x68: {  	_ =	shalt  }
0x69: {  	_ =	shalt  }
0x6a: {  	_ =	shalt  }
0x6b: {  	_ =	shalt  }
0x6c: {  	_ =	shalt  }
0x6d: {  	_ =	shalt  }
0x6e: {  	_ =	shalt  }
0x6f: {  	_ =	shalt  }
0x70: {  	_ =	shalt  }
0x71: {  	_ =	shalt  }
0x72: {  	_ =	shalt  }
0x73: {  	_ =	shalt  }
0x74: {  	_ =	shalt  }
0x75: {  	_ =	shalt  }
0x76: {  	_ =	shalt  }
0x77: {  	_ =	shalt  }
0x78: {  	_ =	shalt  }
0x79: {  	_ =	shalt  }
0x7a: {  	_ =	shalt  }
0x7b: {  	_ =	shalt  }
0x7c: {  	_ =	shalt  }
0x7d: {  	_ =	shalt  }
0x7e: {  	_ =	shalt  }
0x7f: {  	_ =	shalt  }
0x80: {  	_ =	shalt  }
0x81: {  	_ =	shalt  }
0x82: {  	_ =	shalt  }
0x83: {  	_ =	shalt  }
0x84: {  	_ =	shalt  }
0x85: {  	_ =	shalt  }
0x86: {  	_ =	shalt  }
0x87: {  	_ =	shalt  }
.Lfunc_end0:
.L_simem_size_0:
called_computation_lowered:
.L_overlay_start_0:
0x88: {  	s2 =	sld [smem:$0x3FD9]  }
0x89: {  	s3 =	sld [smem:$0x3FFE];
	_ =	sdelay $0x1  }
0x8a: {  	s1 =	srdreg.scid  }
0x8b: {  	s0 =	sand.u32 $0x1, s1  }
0x8c: {  	s16 =	sshll.u32 s0, $0xA;
	s2 =	sadd.s32 s3, s2  }
0x8d: {  	s2 =	sadd.s32 s2, s16  }
0x8e: {  	[smem:$0x3FBD] =	sst s2  }
0x8f: {  	_ = 	snop  }
0x90: {  	(tm) =	ssettm $0x1  }
0x91: {  	s17 =	sld [smem:$0x3FFB];
	_ =	sdelay $0x3  }
0x92: {  	_ =	strace s17  }
0x93: {  	s2 =	sld [smem:$0x3FFC];
	_ =	sdelay $0x3  }
0x94: {  	_ =	strace s2  }
0x95: {  	s2 =	sld [smem:$0x3FFD];
	_ =	sdelay $0x3  }
0x96: {  	_ =	strace s2  }
0x97: {  	_ =	strace $0x8FFFFFFF  }
0x98: {  	s18 =	sld [smem:$0x3FDB];
	_ =	sdelay $0x1  }
0x99: {  	s19 =	simm.s32 $_scs_section_size  }
0x9a: {  	s4 =	simm.s32 $_size__tile_overlayer_lowered;
	s5 =	simm.s32 $_tile_overlayer_lowered  }
0x9b: {  	s22 =	simm.s32 $0x1BFF;
	s21 =	sshll.u32 s5, $0x1;
	s2 =	sadd.s32 s19, s18  }
0x9c: {  	s6 =	simm.s32 $0x0;
	s20 =	sshll.u32 s4, $0x1;
	s4 =	sadd.s32 s21, s2  }
0x9d: {  	[timem:s6], [sflag:s22] =	dma.local [hbm:s4], s20  }
0x9e: {  	_ =	swait.ge [sflag:s22], s20  }
0x9f: {  	s3 =	ssub.s32 $0x0, s20;
	[sflag:s22] =	ssyncset.done $0x0  }
0xa0: {  	[sflag:s22] =	ssyncadd.s32 s3;
	_ =	sdelay $0x1  }
0xa1: {  	s23 =	simm.s32 $0x1B8B  }
0xa2: {  	_ =	swait.ge [sflag:s23], $0x1  }
0xa3: {  	[sflag:s23] =	ssyncset.done $0x0  }
0xa4: {  	s25 =	simm.s32 $0x1B8E;
	s24 =	sld [smem:$0x3FFE];
	[sflag:s23] =	ssyncadd.s32 $0xFFFFFFFF  }
0xa5: {  	s26 =	simm.s32 $execute0_lowered;
	[smem:$0x3FD2] =	sst s25  }
0xa6: {  	s4 =	sshll.u32 s26, $0x1;
	_ =	strace $0x80000049;
	[dreg:$0x1] =	wrdreg $0xFFFFFFFF  }
0xa7: {  	s28 =	simm.s32 $_size_execute0_lowered;
	s2 =	sadd.s32 s2, s4;
	[dreg:$0x0] =	wrdreg $0x0  }
0xa8: {  	s4 =	sshll.u32 s28, $0x1;
	[dreg:$0x2] =	wrdreg s2  }
0xa9: {  	[dreg:$0x3] =	wrdreg s4  }
0xaa: {  	[dreg:$0x4] =	wrdreg $0xC0  }
0xab: {  	_ =	task [dreg:s6], $0x5FFFF  }
0xac: {  	[dreg:$0x1] =	wrdreg $0xFFFFFFFF  }
0xad: {  	[dreg:$0x0] =	wrdreg $0x60  }
0xae: {  	[dreg:$0x2] =	wrdreg s24  }
0xaf: {  	[dreg:$0x3] =	wrdreg $0x9  }
0xb0: {  	_ =	task.clear_ibuf [dreg:s6], $0x4FFFF;
	_ =	strace $0x90000049  }
0xb1: {  	s29 =	simm.s32 $0x9;
	_ =	strace $0x8000004B  }
0xb2: {  	_ =	swait.ge [sflag:s29], $0x1  }
0xb3: {  	[sflag:s29] =	ssyncadd.s32 $0xFFFFFFFF  }
0xb4: {  	_ =	strace $0x9000004B  }
0xb5: {  	_ =	sfence  }
0xb6: {  	s30 =	sld [smem:$0x0];
	_ =	sdelay $0x2  }
0xb7: {  	s31 =	sshll.u32 s1, $0xD;
	s1 =	sshrl.u32 s1, $0x2  }
0xb8: {  	s3 =	sand.u32 $0x4000, s31;
	s1 =	sadd.s32 s1, s30  }
0xb9: {  	s0 =	sor.u32 s3, s0;
	s1 =	sshll.u32 s1, $0x11  }
0xba: {  	s0 =	sor.u32 s1, s0  }
0xbb: {  	s0 =	sadd.s32 $0x8F2B, s0  }
0xbc: {  	[sflag:s0] =	ssyncadd.remote.s32 $0x1  }
0xbd: {  	_ =	sfence.sel $0xFFFF  }
0xbe: {  	[dreg:$0x0] =	wrdreg $0xFFFFFFFF;
	(pc) =	sbr.abs _section_cstart, $3  }
0xbf: {  	[dreg:$0x1] =	wrdreg $0xFFFFFFFF  }
0xc0: {  	_ =	task.clear_ibuf [dreg:s6], $0x2FFFF;
	_ =	strace $0x9FFFFFFF  }
0xc1: {  	(tm) =	ssettm $0x7FFFFFFF  }
tec
execute0_lowered:
.L_overlay_start_1:
0x0: {  	(tag) =	ssettag $0x1  }
0x1: {  	s0 =	srdreg.scid;
	s5 =	rddreg [dreg:$0x0]  }
0x2: {  	s1 =	stileid.u32;
	s6 =	simm.s32 $0x1;
	s9 =	simm.s32 $0x1  }
0x3: {  	s10 =	simm.s32 $0x3;
	s13 =	simm.s32 $0x0;
	s2 =	sshll.u32 s0, $0x7  }
0x4: {  	s12 =	simm.s32 $0x0;
	s3 =	sshll.u32 s1, $0x8;
	s2 =	sand.u32 $0x80, s2  }
0x5: {  	s0 =	rddreg [dreg:$0x1];
	_ =	strace $0x8000004A;
	s2 =	sor.u32 s3, s2  }
0x6: {  	s4 =	sadd.s32 $0x1600, s5;
	[sflag:s6] =	ssyncpa.u1 $0x0;
	s8 =	ssub.s32 $0x1800, s2  }
.Ltmp0:
0x7: {  	s3 =	sadd.s32 $0x1C00, s5;
	s7 =	sand.u32 $0xF80, s8;
	(pc) =	sbr.rel .LBB2_1-.Ltmp0, $4  }
0x8: {  	s5 =	sadd.s32 $0x1E00, s5;
	s11 =	smov.u32 s2;
	p0 =	sne.s32 s7, $0x0  }
0x9: {  	s8 =	sshrl.u32 s8, $0xC;
	s7 =	simm.s32 $0x2;
	s9 =	simm.s32 @!p0 $0x0  }
0xa: {  	[sflag:s7] =	ssyncpa.u1 $0x0;
	p0 =	por $0x0, $0x0;
	s8 =	sadd.s32 s9, s8  }
0xb: {  	vm0 =	vmmov $0xffff;
	[sflag:s10] =	ssyncpa.u1 $0x0;
	s10 =	simm.s32 $0x0;
	s9 =	sadd.s32 $0x1, s8  }
.LBB2_4:
0xc: {  	v2 =	vnsel vm1, $0x0, v2  }
0xd: {  	vm1 =	vgt.s32 v0, $0x0;
	v2 =	vmin.u32 v2, $0xFFF  }
0xe: {  	v0 =	vnsel vm1, $0x0, v0  }
0xf: {  	v0 =	vmin.u32 v0, $0xFFF  }
0x10: {  	[tilespmem:s15], [sflag:$0x1] =	stream.indirect_vreg.gather [hbm4b:s3+s10], $0x1, v1, vm0, $0x4038;
	[tilespmem:$0x200] =	vst v63  }
0x11: {  	(ifvalue) =	ssetifvalue $0x7FFFFFFF  }
0x12: {  	[tilespmem:s16], [sflag:$0x1] =	stream.indirect_vreg.gather [hbm4b:s3+s10], $0x1, v2, vm0, $0x4038;
	[tilespmem:$0x200] =	vst v63  }
0x13: {  	s29 =	sadd.s32 $0x10, s16;
	(ifvalue) =	ssetifvalue $0x7FFFFFFF  }
0x14: {  	[tilespmem:s29], [sflag:$0x1] =	stream.indirect_vreg.gather [hbm4b:s3+s10], $0x1, v0, vm0, $0x4038;
	[tilespmem:$0x200] =	vst v63  }
0x15: {  	_ =	swait.ge [sflag:s6], $0x80  }
0x16: {  	s30 =	sshrl.u32 s13, $0x3;
	[sflag:s6] =	ssyncset.done $0x0  }
0x17: {  	s31 =	sand.u32 $0x7, s13;
	s15 =	sadd.s32 s5, s30;
	[sflag:s6] =	ssyncadd.s32 $0xFFFFFF80  }
0x18: {  	[hbm4b:s15+s31] =	stream.linear.scatter [tilespmem:s14], [sflag:$0x3], $0x80, $0x38;
	[tilespmem:$0x200] =	vst v63  }
.LBB2_5:
0x19: {  	s15 =	sadd.s32 $0x1000, s11  }
0x1a: {  	p2 =	sgt.s32 s15, $0x17FF  }
0x1b: {  	s15 =	smov.u32 @p2 s2;
	p2 =	sne.s32 s12, s9  }
.Ltmp1:
0x1c: {  	p1 =	slt.u32 s12, $0x2;
	(pc) =	sbr.rel @!p2 .LBB2_6-.Ltmp1, $4  }
0x1d: {  	s14 =	simm.s32 @!p1 $0x3  }
0x1e: {  	s16 =	sadd.s32 $0x1, s12;
	_ =	swait.ge @!p1 [sflag:s14], $0x80  }
0x1f: {  	s13 =	smov.u32 s11;
	p0 =	por !p0, !p0;
	[sflag:s14] =	ssyncset.done @!p1 $0x0  }
0x20: {  	s12 =	smov.u32 s16;
	s11 =	smov.u32 s15;
	[sflag:s14] =	ssyncadd.s32 @!p1 $0xFFFFFF80  }
.LBB2_1:
0x21: {  	p1 =	sge.u32 s12, s8  }
0x22: {  	s14 =	sxor.u32 @!p1 $0xFFFFFFFF, s12  }
0x23: {  	s31 =	sadd.s32 $0xFFFFFFFF, s12;
	s15 =	sshrl.u32 @!p1 s11, $0x3;
	s14 =	sshll.u32 @!p1 s14, $0x7  }
0x24: {  	s16 =	sand.u32 @!p1 $0x7, s11;
	s15 =	sadd.s32 @!p1 s4, s15;
	s14 =	sand.u32 @!p1 $0x80, s14  }
0x25: {  	[tilespmem:s14], [sflag:$0x2] =	stream.linear.gather @!p1 [hbm4b:s15+s16], $0x80, $0x38;
	[tilespmem:$0x200] =	vst v63  }
0x26: {  	p1 =	sge.u32 s31, s8  }
.Ltmp2:
0x27: {  	_ = 	snop;
	(pc) =	sbr.rel @p1 .LBB2_5-.Ltmp2, $1  }
0x28: {  	_ =	sdelay $0x3  }
0x29: {  	s14 =	simm.s32 $0x1  }
0x2a: {  	_ =	swait.ge [sflag:s7], $0x80;
	s14 =	simm.s32 @!p0 $0x0  }
0x2b: {  	[sflag:s7] =	ssyncset.done $0x0;
	s14 =	sshll.u32 s14, $0x7  }
0x2c: {  	[sflag:s7] =	ssyncadd.s32 $0xFFFFFF80;
	(ifvalue) =	ssetifvalue $0x7FFFFFFF;
	v0 =	vld.msk [tilespmem:s14+$0x0 ss:$0x1], $0xffff;
	_ =	sdelay $0x4  }
0x2d: {  	s15 =	sadd.s32 $0x10, s14;
	vm1 =	vgt.s32 v0, $0x0  }
0x2e: {  	v2 =	vld.msk [tilespmem:s15+$0x0 ss:$0x1], $0xffff;
	v1 =	vnsel vm1, $0x0, v0  }
0x2f: {  	v1 =	vmin.u32 v1, $0xFFF;
	_ =	sdelay $0x1  }
0x30: {  	s16 =	sshll.u32 s12, $0x7;
	s18 =	simm.s32 $0x20  }
0x31: {  	s16 =	sand.u32 $0x80, s16;
	s17 =	sadd.s32 $0x10, s15;
	s15 =	sor.u32 $0x100, s14  }
0x32: {  	s14 =	sor.u32 $0x100, s16;
	s16 =	sadd.s32 $0x10, s15;
	v0 =	vld.msk [tilespmem:s17+$0x0 ss:$0x1], $0xffff;
	vm1 =	vgt.s32 v2, $0x0;
	(ifvalue) =	ssetifvalue $0x7FFFFFFF  }
.LBB2_3:
0x33: {  	[tilespmem:s15], [sflag:$0x1] =	stream.indirect_vreg.gather [hbm4b:s3+s10], $0x1, v1, vm0, $0x4038;
	[tilespmem:$0x200] =	vst v63  }
0x34: {  	s18 =	sadd.s32 $0x10, s18  }
0x35: {  	v2 =	vnsel vm1, $0x0, v2;
	p1 =	slt.u32 s18, $0x70  }
.Ltmp3:
0x36: {  	s15 =	smov.u32 s16;
	v1 =	vmin.u32 v2, $0xFFF;
	(pc) =	sbr.rel @p1 .LBB2_3-.Ltmp3, $3  }
0x37: {  	_ =	sdelay $0x1  }
0x38: {  	s17 =	sadd.s32 $0x10, s17  }
0x39: {  	vm1 =	vgt.s32 v0, $0x0;
	s16 =	sadd.s32 $0x10, s16;
	v2 =	vmov v0;
	(ifvalue) =	ssetifvalue $0x7FFFFFFF;
	v0 =	vld.msk [tilespmem:s17+$0x0 ss:$0x1], $0xffff  }
.Ltmp4:
0x3a: {  	_ = 	snop;
	(pc) =	sbr.rel .LBB2_4-.Ltmp4, $1  }
0x3b: {  	_ =	sdelay $0x3  }
.LBB2_6:
0x3c: {  	_ =	sfence.sel $0x180000  }
0x3d: {  	s2 =	simm.s32 $0x2;
	[bflag:$0x0] =	sbarrier.arrive $0xFFFF  }
0x3e: {  	s30 =	simm.s32 $0x3;
	[sflag:s2] =	ssyncpa.u1 $0x1  }
0x3f: {  	s31 =	simm.s32 $0x1;
	[sflag:s30] =	ssyncpa.u1 $0x1  }
0x40: {  	[sflag:s31] =	ssyncpa.u1 $0x1  }
0x41: {  	p0 =	sne.s32 s1, $0x0;
	_ =	strace $0x9000004A  }
0x42: {  	s0 =	sadd.s32 @!p0 $0x100000, s0;
	[bflag:$0x2] =	sbarrier.arrive $0xFFFF  }
0x43: {  	[sflag:s0] =	ssyncadd.tile.s32 @!p0 $0x1;
	_ =	shalt  }
.Lfunc_end2:
_tile_overlayer_lowered:
.L_overlay_start_2:
0x44: {  	(tag) =	ssettag $0x2  }
0x45: {  	s0 =	rddreg [dreg:$0x0];
	s2 =	stileid.u32  }
0x46: {  	s1 =	rddreg [dreg:$0x1];
	p0 =	sne.s32 s2, $0x0  }
0x47: {  	s3 =	rddreg [dreg:$0x2];
	[bflag:$0x3] =	sbarrier.arrive $0xFFFF;
	s2 =	simm.s32 @!p0 $0x1C01  }
0x48: {  	[timem:s3], [sflag:s2] =	dma.local @!p0 [hbm:s0], s1  }
0x49: {  	s0 =	simm.s32 @!p0 $0x1  }
0x4a: {  	_ =	swait.ge @!p0 [sflag:s0], s1  }
0x4b: {  	s1 =	ssub.s32 @!p0 $0x0, s1;
	[sflag:s0] =	ssyncset.done @!p0 $0x0  }
0x4c: {  	[sflag:s0] =	ssyncadd.s32 @!p0 s1  }
0x4d: {  	[bflag:$0x3] =	sbarrier.arrive $0xFFFF  }
0x4e: {  	_ =	shalt  }

</sc_bundles>
